<compile_context>
chip_gen: v7x
topology: tpu7x:2x2x1
jax: 0.10.2.dev20260603
libtpu: 0.0.44.dev20260713+nightly
codegen_flags: <defaults>
</compile_context>

<pallas_src>
import functools

import jax
import jax.numpy as jnp
from jax import lax
from jax.experimental import pallas as pl
from jax.experimental.pallas import tpu as pltpu
from jax.experimental.pallas import tpu_sc as plsc


def _select_kernel(xyz1_ref, xyz2t_ref,
                   g0_ref, g1_ref, g2_ref, w0_ref, w1_ref, w2_ref, *, M):
    b = pl.program_id(0)
    qx = xyz1_ref[0, :, 0:1]
    qy = xyz1_ref[0, :, 1:2]
    qz = xyz1_ref[0, :, 2:3]
    px = xyz2t_ref[0, 0:1, :]
    py = xyz2t_ref[0, 1:2, :]
    pz = xyz2t_ref[0, 2:3, :]

    dx = qx - px
    dy = qy - py
    dz = qz - pz
    d2 = dx * dx + dy * dy + dz * dz

    iota = jax.lax.broadcasted_iota(jnp.int32, d2.shape, 1)
    keys = (jax.lax.bitcast_convert_type(d2, jnp.int32) & ~1023) | iota

    big = jnp.int32(2**31 - 1)
    k1 = jnp.min(keys, axis=1, keepdims=True)
    t = jnp.where(keys > k1, keys, big)
    k2 = jnp.min(t, axis=1, keepdims=True)
    t = jnp.where(t > k2, t, big)
    k3 = jnp.min(t, axis=1, keepdims=True)

    idxs = []
    invs = []
    for kk in (k1, k2, k3):
        idxs.append(kk & 1023)
        val = jax.lax.bitcast_convert_type(kk & ~1023, jnp.float32)
        invs.append(1.0 / jnp.maximum(val, 1e-10))
    norm = invs[0] + invs[1] + invs[2]

    for g_ref, w_ref, idx, inv in zip(
        (g0_ref, g1_ref, g2_ref), (w0_ref, w1_ref, w2_ref), idxs, invs
    ):
        g_ref[0, :, :] = idx + b * M
        w_ref[0, :, :] = jnp.broadcast_to(inv / norm, (idx.shape[0], 16))


def _tc_select(points, xyz1, xyz2, tile_n):
    B, N, _ = xyz1.shape
    _, M, C = points.shape
    xyz2t = jnp.transpose(xyz2, (0, 2, 1))
    grid = (B, N // tile_n)
    idx_spec = pl.BlockSpec((1, tile_n, 1), lambda b, n: (b, n, 0))
    w_spec = pl.BlockSpec((1, tile_n, 16), lambda b, n: (b, n, 0))
    outs = pl.pallas_call(
        functools.partial(_select_kernel, M=M),
        grid=grid,
        in_specs=[
            pl.BlockSpec((1, tile_n, 3), lambda b, n: (b, n, 0)),
            pl.BlockSpec((1, 3, M), lambda b, n: (b, 0, 0)),
        ],
        out_specs=[idx_spec, idx_spec, idx_spec, w_spec, w_spec, w_spec],
        out_shape=[jax.ShapeDtypeStruct((B, N, 1), jnp.int32)] * 3
        + [jax.ShapeDtypeStruct((B, N, 16), jnp.float32)] * 3,
    )(xyz1, xyz2t)
    gs = [o.reshape(B * N) for o in outs[:3]]
    ws = [o.reshape(B * N, 16) for o in outs[3:]]
    return gs, ws


def _make_sc_interp(BN, C, G=64):
    info = plsc.get_sparse_core_info()
    NW = info.num_cores * info.num_subcores
    qpw = BN // NW
    steps = qpw // G
    mesh = plsc.VectorSubcoreMesh(core_axis_name="c", subcore_axis_name="s")

    @functools.partial(
        pl.kernel,
        mesh=mesh,
        out_type=jax.ShapeDtypeStruct((BN, C), jnp.float32),
        scratch_types=[
            pltpu.VMEM((G,), jnp.int32),
            pltpu.VMEM((G,), jnp.int32),
            pltpu.VMEM((G,), jnp.int32),
            pltpu.VMEM((G, C), jnp.float32),
            pltpu.VMEM((G, C), jnp.float32),
            pltpu.VMEM((G, C), jnp.float32),
            pltpu.VMEM((G, 16), jnp.float32),
            pltpu.VMEM((G, 16), jnp.float32),
            pltpu.VMEM((G, 16), jnp.float32),
            pltpu.VMEM((G, C), jnp.float32),
            pltpu.SemaphoreType.DMA,
        ],
    )
    def k(table_hbm, g0_hbm, g1_hbm, g2_hbm, wb0_hbm, wb1_hbm, wb2_hbm,
          out_hbm, i0, i1, i2, r0, r1, r2, w0, w1, w2, ov, sem):
        wid = lax.axis_index("s") * info.num_cores + lax.axis_index("c")
        base = wid * qpw

        def step(s, _):
            qb = base + s * G
            pltpu.sync_copy(g0_hbm.at[pl.ds(qb, G)], i0)
            pltpu.sync_copy(g1_hbm.at[pl.ds(qb, G)], i1)
            pltpu.sync_copy(g2_hbm.at[pl.ds(qb, G)], i2)
            pltpu.sync_copy(wb0_hbm.at[pl.ds(qb, G)], w0)
            pltpu.sync_copy(wb1_hbm.at[pl.ds(qb, G)], w1)
            pltpu.sync_copy(wb2_hbm.at[pl.ds(qb, G)], w2)
            c0 = pltpu.async_copy(table_hbm.at[i0], r0, sem)
            c1 = pltpu.async_copy(table_hbm.at[i1], r1, sem)
            c2 = pltpu.async_copy(table_hbm.at[i2], r2, sem)
            c0.wait()
            c1.wait()
            c2.wait()

            def body(q, _):
                wa = w0[q, :]
                wb = w1[q, :]
                wc = w2[q, :]
                for c in range(C // 16):
                    sl = pl.ds(c * 16, 16)
                    ov[q, sl] = wa * r0[q, sl] + wb * r1[q, sl] + wc * r2[q, sl]
                return 0

            lax.fori_loop(0, G, body, 0)
            pltpu.sync_copy(ov, out_hbm.at[pl.ds(qb, G)])
            return 0

        lax.fori_loop(0, steps, step, 0)

    return k


@jax.jit
def kernel(points, xyz1, xyz2):
    B, N, _ = xyz1.shape
    _, M, C = points.shape
    gs, ws = _tc_select(points, xyz1, xyz2, tile_n=1024)
    table = points.reshape(B * M, C)
    out = _make_sc_interp(B * N, C)(table, *gs, *ws)
    return out.reshape(B, N, C)

# --- scband reference (transcript-rebuilt; emitter-appended) ---
"""Pipeline reference for scband-interpolate-37744172597322 (READ-ONLY COPY).

The authoritative reference and input builder live on the scoring server;
editing this copy changes nothing except your own understanding.
"""

import jax, jax.numpy as jnp
import numpy as np


def setup_inputs(seed: int = 0) -> dict:
    key = jax.random.key(seed)
    k1, k2, k3 = jax.random.split(key, 3)
    # features at the M known (sparse) points: (B, M, C)
    points = jax.random.normal(k1, (16, 1024, 256), dtype=jnp.float32)
    # query (dense) point coordinates: (B, N, 3)
    xyz1 = jax.random.uniform(k2, (16, 4096, 3), dtype=jnp.float32)
    # known (sparse) point coordinates: (B, M, 3)
    xyz2 = jax.random.uniform(k3, (16, 1024, 3), dtype=jnp.float32)
    return {"points": points, "xyz1": xyz1, "xyz2": xyz2}


def reference(points, xyz1, xyz2):
    # three_nn: squared distances from each query point in xyz1 to every
    # known point in xyz2, then take the 3 nearest.
    # d2: (B, N, M)
    d2 = jnp.sum((xyz1[:, :, None, :] - xyz2[:, None, :, :]) ** 2, axis=-1)
    neg_d, idx = jax.lax.top_k(-d2, 3)  # 3 smallest distances
    dist = -neg_d  # (B, N, 3)
    # dist = tf.maximum(dist, 1e-10)
    dist = jnp.maximum(dist, 1e-10)
    # norm = sum(1/dist) tiled; weight = 1/dist/norm
    norm = jnp.sum(1.0 / dist, axis=2, keepdims=True)  # (B, N, 1)
    weight = (1.0 / dist) / norm  # (B, N, 3)
    # three_interpolate: gather features of the 3 neighbors and blend.
    B, N, _ = idx.shape
    C = points.shape[-1]
    flat_idx = idx.reshape(B, N * 3)  # (B, N*3)
    gathered = jnp.take_along_axis(points, flat_idx[:, :, None], axis=1)
    gathered = gathered.reshape(B, N, 3, C)  # (B, N, 3, C)
    out = jnp.sum(weight[..., None] * gathered, axis=2)  # (B, N, C)
    return out

if __name__ == "__main__":
    import jax
    _d = setup_inputs()
    print(jax.jit(kernel)(*tuple(_d.values())))

</pallas_src>

<mosaic_0001>
#map = affine_map<(d0, d1) -> (0, 0)>
#map1 = affine_map<(d0, d1) -> (0)>
module attributes {stable_mosaic.version = 14 : i64} {
  func.func @k(%arg0: i32, %arg1: i32, %arg2: memref<16384x256xf32, #tpu.memory_space<hbm>>, %arg3: memref<65536xi32, #tpu.memory_space<hbm>>, %arg4: memref<65536xi32, #tpu.memory_space<hbm>>, %arg5: memref<65536xi32, #tpu.memory_space<hbm>>, %arg6: memref<65536x16xf32, #tpu.memory_space<hbm>>, %arg7: memref<65536x16xf32, #tpu.memory_space<hbm>>, %arg8: memref<65536x16xf32, #tpu.memory_space<hbm>>, %arg9: memref<65536x256xf32, #tpu.memory_space<hbm>>, %arg10: memref<64xi32, #tpu.memory_space<vmem>>, %arg11: memref<64xi32, #tpu.memory_space<vmem>>, %arg12: memref<64xi32, #tpu.memory_space<vmem>>, %arg13: memref<64x256xf32, #tpu.memory_space<vmem>>, %arg14: memref<64x256xf32, #tpu.memory_space<vmem>>, %arg15: memref<64x256xf32, #tpu.memory_space<vmem>>, %arg16: memref<64x16xf32, #tpu.memory_space<vmem>>, %arg17: memref<64x16xf32, #tpu.memory_space<vmem>>, %arg18: memref<64x16xf32, #tpu.memory_space<vmem>>, %arg19: memref<64x256xf32, #tpu.memory_space<vmem>>, %arg20: memref<!tpu.dma_semaphore, #tpu.memory_space<semaphore_mem>>) attributes {dimension_semantics = [#tpu.dimension_semantics<core_parallel>, #tpu.dimension_semantics<subcore_parallel>], iteration_bounds = array<i64: 2, 16>, scalar_prefetch = 0 : i64, scratch_operands = 11 : i64, tpu.core_type = #tpu.core_type<sc_vector_subcore>, window_params = [{transform_indices = #map}, {transform_indices = #map1}, {transform_indices = #map1}, {transform_indices = #map1}, {transform_indices = #map}, {transform_indices = #map}, {transform_indices = #map}, {transform_indices = #map}]} {
    %mul3A = arith.constant 2 : i32
    %mul3A_0 = arith.muli %arg1, %mul3A : i32
    %add3A = arith.addi %mul3A_0, %arg0 : i32
    %mul3A_1 = arith.constant 2048 : i32
    %mul3A_2 = arith.muli %add3A, %mul3A_1 : i32
    %scan3A = arith.constant 0 : i32
    %scan3A_3 = arith.constant 0 : i32
    %scan3A_4 = arith.constant 32 : i32
    %scan3A_5 = arith.addi %scan3A_3, %scan3A_4 : i32
    %scan3A_6 = arith.constant 1 : i32
    %scan3A_7 = scf.for %scan3A_9 = %scan3A_3 to %scan3A_5 step %scan3A_6 iter_args(%scan3A_10 = %scan3A) -> (i32)  : i32 {
      %mul3A_11 = arith.constant 64 : i32
      %mul3A_12 = arith.muli %scan3A_9, %mul3A_11 : i32
      %add3A_13 = arith.addi %mul3A_2, %mul3A_12 : i32
      "tpu.region"() ({
        %run_scoped3A = tpu.sem_alloc : memref<!tpu.dma_semaphore, #tpu.memory_space<semaphore_mem>>
        %dma_start3A_38 = tpu.memref_slice %arg3[%add3A_13] : memref<65536xi32, #tpu.memory_space<hbm>> -> memref<64xi32, #tpu.memory_space<hbm>>
        %dma_start3A_39 = tpu.memref_slice %arg3[%add3A_13] : memref<65536xi32, #tpu.memory_space<hbm>> -> memref<64xi32, #tpu.memory_space<hbm>>
        tpu.enqueue_dma source(%dma_start3A_39 : memref<64xi32, #tpu.memory_space<hbm>>) target(%arg10 : memref<64xi32, #tpu.memory_space<vmem>>) target_semaphore(%run_scoped3A : memref<!tpu.dma_semaphore, #tpu.memory_space<semaphore_mem>>)
        %dma_wait3A_40 = tpu.memref_slice %arg3[%add3A_13] : memref<65536xi32, #tpu.memory_space<hbm>> -> memref<64xi32, #tpu.memory_space<hbm>>
        %dma_wait3A_41 = tpu.memref_slice %arg3[%add3A_13] : memref<65536xi32, #tpu.memory_space<hbm>> -> memref<64xi32, #tpu.memory_space<hbm>>
        tpu.wait_dma2 semaphore(%run_scoped3A : memref<!tpu.dma_semaphore, #tpu.memory_space<semaphore_mem>>) src(%dma_wait3A_41 : memref<64xi32, #tpu.memory_space<hbm>>) dst(%arg10 : memref<64xi32, #tpu.memory_space<vmem>>)
        tpu.yield
      }) : () -> ()
      "tpu.region"() ({
        %run_scoped3A = tpu.sem_alloc : memref<!tpu.dma_semaphore, #tpu.memory_space<semaphore_mem>>
        %dma_start3A_38 = tpu.memref_slice %arg4[%add3A_13] : memref<65536xi32, #tpu.memory_space<hbm>> -> memref<64xi32, #tpu.memory_space<hbm>>
        %dma_start3A_39 = tpu.memref_slice %arg4[%add3A_13] : memref<65536xi32, #tpu.memory_space<hbm>> -> memref<64xi32, #tpu.memory_space<hbm>>
        tpu.enqueue_dma source(%dma_start3A_39 : memref<64xi32, #tpu.memory_space<hbm>>) target(%arg11 : memref<64xi32, #tpu.memory_space<vmem>>) target_semaphore(%run_scoped3A : memref<!tpu.dma_semaphore, #tpu.memory_space<semaphore_mem>>)
        %dma_wait3A_40 = tpu.memref_slice %arg4[%add3A_13] : memref<65536xi32, #tpu.memory_space<hbm>> -> memref<64xi32, #tpu.memory_space<hbm>>
        %dma_wait3A_41 = tpu.memref_slice %arg4[%add3A_13] : memref<65536xi32, #tpu.memory_space<hbm>> -> memref<64xi32, #tpu.memory_space<hbm>>
        tpu.wait_dma2 semaphore(%run_scoped3A : memref<!tpu.dma_semaphore, #tpu.memory_space<semaphore_mem>>) src(%dma_wait3A_41 : memref<64xi32, #tpu.memory_space<hbm>>) dst(%arg11 : memref<64xi32, #tpu.memory_space<vmem>>)
        tpu.yield
      }) : () -> ()
      "tpu.region"() ({
        %run_scoped3A = tpu.sem_alloc : memref<!tpu.dma_semaphore, #tpu.memory_space<semaphore_mem>>
        %dma_start3A_38 = tpu.memref_slice %arg5[%add3A_13] : memref<65536xi32, #tpu.memory_space<hbm>> -> memref<64xi32, #tpu.memory_space<hbm>>
        %dma_start3A_39 = tpu.memref_slice %arg5[%add3A_13] : memref<65536xi32, #tpu.memory_space<hbm>> -> memref<64xi32, #tpu.memory_space<hbm>>
        tpu.enqueue_dma source(%dma_start3A_39 : memref<64xi32, #tpu.memory_space<hbm>>) target(%arg12 : memref<64xi32, #tpu.memory_space<vmem>>) target_semaphore(%run_scoped3A : memref<!tpu.dma_semaphore, #tpu.memory_space<semaphore_mem>>)
        %dma_wait3A_40 = tpu.memref_slice %arg5[%add3A_13] : memref<65536xi32, #tpu.memory_space<hbm>> -> memref<64xi32, #tpu.memory_space<hbm>>
        %dma_wait3A_41 = tpu.memref_slice %arg5[%add3A_13] : memref<65536xi32, #tpu.memory_space<hbm>> -> memref<64xi32, #tpu.memory_space<hbm>>
        tpu.wait_dma2 semaphore(%run_scoped3A : memref<!tpu.dma_semaphore, #tpu.memory_space<semaphore_mem>>) src(%dma_wait3A_41 : memref<64xi32, #tpu.memory_space<hbm>>) dst(%arg12 : memref<64xi32, #tpu.memory_space<vmem>>)
        tpu.yield
      }) : () -> ()
      "tpu.region"() ({
        %run_scoped3A = tpu.sem_alloc : memref<!tpu.dma_semaphore, #tpu.memory_space<semaphore_mem>>
        %dma_start3A_38 = arith.constant 0 : i32
        %dma_start3A_39 = tpu.memref_slice %arg6[%add3A_13, %dma_start3A_38] : memref<65536x16xf32, #tpu.memory_space<hbm>> -> memref<64x16xf32, #tpu.memory_space<hbm>>
        %dma_start3A_40 = arith.constant 0 : i32
        %dma_start3A_41 = tpu.memref_slice %arg6[%add3A_13, %dma_start3A_40] : memref<65536x16xf32, #tpu.memory_space<hbm>> -> memref<64x16xf32, #tpu.memory_space<hbm>>
        tpu.enqueue_dma source(%dma_start3A_41 : memref<64x16xf32, #tpu.memory_space<hbm>>) target(%arg16 : memref<64x16xf32, #tpu.memory_space<vmem>>) target_semaphore(%run_scoped3A : memref<!tpu.dma_semaphore, #tpu.memory_space<semaphore_mem>>)
        %dma_wait3A_42 = arith.constant 0 : i32
        %dma_wait3A_43 = tpu.memref_slice %arg6[%add3A_13, %dma_wait3A_42] : memref<65536x16xf32, #tpu.memory_space<hbm>> -> memref<64x16xf32, #tpu.memory_space<hbm>>
        %dma_wait3A_44 = arith.constant 0 : i32
        %dma_wait3A_45 = tpu.memref_slice %arg6[%add3A_13, %dma_wait3A_44] : memref<65536x16xf32, #tpu.memory_space<hbm>> -> memref<64x16xf32, #tpu.memory_space<hbm>>
        tpu.wait_dma2 semaphore(%run_scoped3A : memref<!tpu.dma_semaphore, #tpu.memory_space<semaphore_mem>>) src(%dma_wait3A_45 : memref<64x16xf32, #tpu.memory_space<hbm>>) dst(%arg16 : memref<64x16xf32, #tpu.memory_space<vmem>>)
        tpu.yield
      }) : () -> ()
      "tpu.region"() ({
        %run_scoped3A = tpu.sem_alloc : memref<!tpu.dma_semaphore, #tpu.memory_space<semaphore_mem>>
        %dma_start3A_38 = arith.constant 0 : i32
        %dma_start3A_39 = tpu.memref_slice %arg7[%add3A_13, %dma_start3A_38] : memref<65536x16xf32, #tpu.memory_space<hbm>> -> memref<64x16xf32, #tpu.memory_space<hbm>>
        %dma_start3A_40 = arith.constant 0 : i32
        %dma_start3A_41 = tpu.memref_slice %arg7[%add3A_13, %dma_start3A_40] : memref<65536x16xf32, #tpu.memory_space<hbm>> -> memref<64x16xf32, #tpu.memory_space<hbm>>
        tpu.enqueue_dma source(%dma_start3A_41 : memref<64x16xf32, #tpu.memory_space<hbm>>) target(%arg17 : memref<64x16xf32, #tpu.memory_space<vmem>>) target_semaphore(%run_scoped3A : memref<!tpu.dma_semaphore, #tpu.memory_space<semaphore_mem>>)
        %dma_wait3A_42 = arith.constant 0 : i32
        %dma_wait3A_43 = tpu.memref_slice %arg7[%add3A_13, %dma_wait3A_42] : memref<65536x16xf32, #tpu.memory_space<hbm>> -> memref<64x16xf32, #tpu.memory_space<hbm>>
        %dma_wait3A_44 = arith.constant 0 : i32
        %dma_wait3A_45 = tpu.memref_slice %arg7[%add3A_13, %dma_wait3A_44] : memref<65536x16xf32, #tpu.memory_space<hbm>> -> memref<64x16xf32, #tpu.memory_space<hbm>>
        tpu.wait_dma2 semaphore(%run_scoped3A : memref<!tpu.dma_semaphore, #tpu.memory_space<semaphore_mem>>) src(%dma_wait3A_45 : memref<64x16xf32, #tpu.memory_space<hbm>>) dst(%arg17 : memref<64x16xf32, #tpu.memory_space<vmem>>)
        tpu.yield
      }) : () -> ()
      "tpu.region"() ({
        %run_scoped3A = tpu.sem_alloc : memref<!tpu.dma_semaphore, #tpu.memory_space<semaphore_mem>>
        %dma_start3A_38 = arith.constant 0 : i32
        %dma_start3A_39 = tpu.memref_slice %arg8[%add3A_13, %dma_start3A_38] : memref<65536x16xf32, #tpu.memory_space<hbm>> -> memref<64x16xf32, #tpu.memory_space<hbm>>
        %dma_start3A_40 = arith.constant 0 : i32
        %dma_start3A_41 = tpu.memref_slice %arg8[%add3A_13, %dma_start3A_40] : memref<65536x16xf32, #tpu.memory_space<hbm>> -> memref<64x16xf32, #tpu.memory_space<hbm>>
        tpu.enqueue_dma source(%dma_start3A_41 : memref<64x16xf32, #tpu.memory_space<hbm>>) target(%arg18 : memref<64x16xf32, #tpu.memory_space<vmem>>) target_semaphore(%run_scoped3A : memref<!tpu.dma_semaphore, #tpu.memory_space<semaphore_mem>>)
        %dma_wait3A_42 = arith.constant 0 : i32
        %dma_wait3A_43 = tpu.memref_slice %arg8[%add3A_13, %dma_wait3A_42] : memref<65536x16xf32, #tpu.memory_space<hbm>> -> memref<64x16xf32, #tpu.memory_space<hbm>>
        %dma_wait3A_44 = arith.constant 0 : i32
        %dma_wait3A_45 = tpu.memref_slice %arg8[%add3A_13, %dma_wait3A_44] : memref<65536x16xf32, #tpu.memory_space<hbm>> -> memref<64x16xf32, #tpu.memory_space<hbm>>
        tpu.wait_dma2 semaphore(%run_scoped3A : memref<!tpu.dma_semaphore, #tpu.memory_space<semaphore_mem>>) src(%dma_wait3A_45 : memref<64x16xf32, #tpu.memory_space<hbm>>) dst(%arg18 : memref<64x16xf32, #tpu.memory_space<vmem>>)
        tpu.yield
      }) : () -> ()
      %dma_start3A = arith.constant 0 : i32
      %dma_start3A_14 = arith.constant 0 : i32
      %dma_start3A_15 = tpu.memref_slice %arg2[%dma_start3A, %dma_start3A_14] : memref<16384x256xf32, #tpu.memory_space<hbm>> -> memref<16384x256xf32, #tpu.memory_space<hbm>>
      tpu.enqueue_indirect_dma source(%dma_start3A_15 : memref<16384x256xf32, #tpu.memory_space<hbm>>) target(%arg13 : memref<64x256xf32, #tpu.memory_space<vmem>>) offsets(%arg10 : memref<64xi32, #tpu.memory_space<vmem>>) semaphore(%arg20 : memref<!tpu.dma_semaphore, #tpu.memory_space<semaphore_mem>>)
      %dma_start3A_16 = arith.constant 0 : i32
      %dma_start3A_17 = arith.constant 0 : i32
      %dma_start3A_18 = tpu.memref_slice %arg2[%dma_start3A_16, %dma_start3A_17] : memref<16384x256xf32, #tpu.memory_space<hbm>> -> memref<16384x256xf32, #tpu.memory_space<hbm>>
      tpu.enqueue_indirect_dma source(%dma_start3A_18 : memref<16384x256xf32, #tpu.memory_space<hbm>>) target(%arg14 : memref<64x256xf32, #tpu.memory_space<vmem>>) offsets(%arg11 : memref<64xi32, #tpu.memory_space<vmem>>) semaphore(%arg20 : memref<!tpu.dma_semaphore, #tpu.memory_space<semaphore_mem>>)
      %dma_start3A_19 = arith.constant 0 : i32
      %dma_start3A_20 = arith.constant 0 : i32
      %dma_start3A_21 = tpu.memref_slice %arg2[%dma_start3A_19, %dma_start3A_20] : memref<16384x256xf32, #tpu.memory_space<hbm>> -> memref<16384x256xf32, #tpu.memory_space<hbm>>
      tpu.enqueue_indirect_dma source(%dma_start3A_21 : memref<16384x256xf32, #tpu.memory_space<hbm>>) target(%arg15 : memref<64x256xf32, #tpu.memory_space<vmem>>) offsets(%arg12 : memref<64xi32, #tpu.memory_space<vmem>>) semaphore(%arg20 : memref<!tpu.dma_semaphore, #tpu.memory_space<semaphore_mem>>)
      %dma_wait3A = arith.constant 0 : i32
      %dma_wait3A_22 = arith.constant 0 : i32
      %dma_wait3A_23 = tpu.memref_slice %arg2[%dma_wait3A, %dma_wait3A_22] : memref<16384x256xf32, #tpu.memory_space<hbm>> -> memref<16384x256xf32, #tpu.memory_space<hbm>>
      tpu.wait_indirect_dma semaphore(%arg20 : memref<!tpu.dma_semaphore, #tpu.memory_space<semaphore_mem>>) src(%dma_wait3A_23 : memref<16384x256xf32, #tpu.memory_space<hbm>>) dst(%arg13 : memref<64x256xf32, #tpu.memory_space<vmem>>)
      %dma_wait3A_24 = arith.constant 0 : i32
      %dma_wait3A_25 = arith.constant 0 : i32
      %dma_wait3A_26 = tpu.memref_slice %arg2[%dma_wait3A_24, %dma_wait3A_25] : memref<16384x256xf32, #tpu.memory_space<hbm>> -> memref<16384x256xf32, #tpu.memory_space<hbm>>
      tpu.wait_indirect_dma semaphore(%arg20 : memref<!tpu.dma_semaphore, #tpu.memory_space<semaphore_mem>>) src(%dma_wait3A_26 : memref<16384x256xf32, #tpu.memory_space<hbm>>) dst(%arg14 : memref<64x256xf32, #tpu.memory_space<vmem>>)
      %dma_wait3A_27 = arith.constant 0 : i32
      %dma_wait3A_28 = arith.constant 0 : i32
      %dma_wait3A_29 = tpu.memref_slice %arg2[%dma_wait3A_27, %dma_wait3A_28] : memref<16384x256xf32, #tpu.memory_space<hbm>> -> memref<16384x256xf32, #tpu.memory_space<hbm>>
      tpu.wait_indirect_dma semaphore(%arg20 : memref<!tpu.dma_semaphore, #tpu.memory_space<semaphore_mem>>) src(%dma_wait3A_29 : memref<16384x256xf32, #tpu.memory_space<hbm>>) dst(%arg15 : memref<64x256xf32, #tpu.memory_space<vmem>>)
      %scan3A_30 = arith.constant 0 : i32
      %scan3A_31 = arith.constant 0 : i32
      %scan3A_32 = arith.constant 64 : i32
      %scan3A_33 = arith.addi %scan3A_31, %scan3A_32 : i32
      %scan3A_34 = arith.constant 1 : i32
      %scan3A_35 = scf.for %scan3A_38 = %scan3A_31 to %scan3A_33 step %scan3A_34 iter_args(%scan3A_39 = %scan3A_30) -> (i32)  : i32 {
        %get3A = arith.index_cast %scan3A_38 : i32 to index
        %get3A_40 = arith.constant 0 : index
        %get3A_41 = tpu.vector_load %arg16[%get3A, %get3A_40] {strides = array<i32>} : memref<64x16xf32, #tpu.memory_space<vmem>>, vector<1x16xf32>,
        %get3A_42 = vector.shape_cast %get3A_41 : vector<1x16xf32> to vector<16xf32>
        %get3A_43 = arith.index_cast %scan3A_38 : i32 to index
        %get3A_44 = arith.constant 0 : index
        %get3A_45 = tpu.vector_load %arg17[%get3A_43, %get3A_44] {strides = array<i32>} : memref<64x16xf32, #tpu.memory_space<vmem>>, vector<1x16xf32>,
        %get3A_46 = vector.shape_cast %get3A_45 : vector<1x16xf32> to vector<16xf32>
        %get3A_47 = arith.index_cast %scan3A_38 : i32 to index
        %get3A_48 = arith.constant 0 : index
        %get3A_49 = tpu.vector_load %arg18[%get3A_47, %get3A_48] {strides = array<i32>} : memref<64x16xf32, #tpu.memory_space<vmem>>, vector<1x16xf32>,
        %get3A_50 = vector.shape_cast %get3A_49 : vector<1x16xf32> to vector<16xf32>
        %get3A_51 = arith.index_cast %scan3A_38 : i32 to index
        %get3A_52 = arith.constant 0 : index
        %get3A_53 = tpu.vector_load %arg13[%get3A_51, %get3A_52] {strides = array<i32>} : memref<64x256xf32, #tpu.memory_space<vmem>>, vector<1x16xf32>,
        %get3A_54 = vector.shape_cast %get3A_53 : vector<1x16xf32> to vector<16xf32>
        %mul3A_55 = arith.mulf %get3A_42, %get3A_54 : vector<16xf32>
        %get3A_56 = arith.index_cast %scan3A_38 : i32 to index
        %get3A_57 = arith.constant 0 : index
        %get3A_58 = tpu.vector_load %arg14[%get3A_56, %get3A_57] {strides = array<i32>} : memref<64x256xf32, #tpu.memory_space<vmem>>, vector<1x16xf32>,
        %get3A_59 = vector.shape_cast %get3A_58 : vector<1x16xf32> to vector<16xf32>
        %mul3A_60 = arith.mulf %get3A_46, %get3A_59 : vector<16xf32>
        %add3A_61 = arith.addf %mul3A_55, %mul3A_60 : vector<16xf32>
        %get3A_62 = arith.index_cast %scan3A_38 : i32 to index
        %get3A_63 = arith.constant 0 : index
        %get3A_64 = tpu.vector_load %arg15[%get3A_62, %get3A_63] {strides = array<i32>} : memref<64x256xf32, #tpu.memory_space<vmem>>, vector<1x16xf32>,
        %get3A_65 = vector.shape_cast %get3A_64 : vector<1x16xf32> to vector<16xf32>
        %mul3A_66 = arith.mulf %get3A_50, %get3A_65 : vector<16xf32>
        %add3A_67 = arith.addf %add3A_61, %mul3A_66 : vector<16xf32>
        %swap3A = arith.index_cast %scan3A_38 : i32 to index
        %swap3A_68 = arith.constant 0 : index
        %swap3A_69 = tpu.vector_load %arg19[%swap3A, %swap3A_68] {strides = array<i32>} : memref<64x256xf32, #tpu.memory_space<vmem>>, vector<1x16xf32>,
        %swap3A_70 = vector.shape_cast %swap3A_69 : vector<1x16xf32> to vector<16xf32>
        %swap3A_71 = vector.shape_cast %add3A_67 : vector<16xf32> to vector<1x16xf32>
        tpu.vector_store %arg19[%swap3A, %swap3A_68], %swap3A_71 {strides = array<i32>} : memref<64x256xf32, #tpu.memory_space<vmem>>, vector<1x16xf32>,
        %get3A_72 = arith.index_cast %scan3A_38 : i32 to index
        %get3A_73 = arith.constant 16 : index
        %get3A_74 = tpu.vector_load %arg13[%get3A_72, %get3A_73] {strides = array<i32>} : memref<64x256xf32, #tpu.memory_space<vmem>>, vector<1x16xf32>,
        %get3A_75 = vector.shape_cast %get3A_74 : vector<1x16xf32> to vector<16xf32>
        %mul3A_76 = arith.mulf %get3A_42, %get3A_75 : vector<16xf32>
        %get3A_77 = arith.index_cast %scan3A_38 : i32 to index
        %get3A_78 = arith.constant 16 : index
        %get3A_79 = tpu.vector_load %arg14[%get3A_77, %get3A_78] {strides = array<i32>} : memref<64x256xf32, #tpu.memory_space<vmem>>, vector<1x16xf32>,
        %get3A_80 = vector.shape_cast %get3A_79 : vector<1x16xf32> to vector<16xf32>
        %mul3A_81 = arith.mulf %get3A_46, %get3A_80 : vector<16xf32>
        %add3A_82 = arith.addf %mul3A_76, %mul3A_81 : vector<16xf32>
        %get3A_83 = arith.index_cast %scan3A_38 : i32 to index
        %get3A_84 = arith.constant 16 : index
        %get3A_85 = tpu.vector_load %arg15[%get3A_83, %get3A_84] {strides = array<i32>} : memref<64x256xf32, #tpu.memory_space<vmem>>, vector<1x16xf32>,
        %get3A_86 = vector.shape_cast %get3A_85 : vector<1x16xf32> to vector<16xf32>
        %mul3A_87 = arith.mulf %get3A_50, %get3A_86 : vector<16xf32>
        %add3A_88 = arith.addf %add3A_82, %mul3A_87 : vector<16xf32>
        %swap3A_89 = arith.index_cast %scan3A_38 : i32 to index
        %swap3A_90 = arith.constant 16 : index
        %swap3A_91 = tpu.vector_load %arg19[%swap3A_89, %swap3A_90] {strides = array<i32>} : memref<64x256xf32, #tpu.memory_space<vmem>>, vector<1x16xf32>,
        %swap3A_92 = vector.shape_cast %swap3A_91 : vector<1x16xf32> to vector<16xf32>
        %swap3A_93 = vector.shape_cast %add3A_88 : vector<16xf32> to vector<1x16xf32>
        tpu.vector_store %arg19[%swap3A_89, %swap3A_90], %swap3A_93 {strides = array<i32>} : memref<64x256xf32, #tpu.memory_space<vmem>>, vector<1x16xf32>,
        %get3A_94 = arith.index_cast %scan3A_38 : i32 to index
        %get3A_95 = arith.constant 32 : index
        %get3A_96 = tpu.vector_load %arg13[%get3A_94, %get3A_95] {strides = array<i32>} : memref<64x256xf32, #tpu.memory_space<vmem>>, vector<1x16xf32>,
        %get3A_97 = vector.shape_cast %get3A_96 : vector<1x16xf32> to vector<16xf32>
        %mul3A_98 = arith.mulf %get3A_42, %get3A_97 : vector<16xf32>
        %get3A_99 = arith.index_cast %scan3A_38 : i32 to index
        %get3A_100 = arith.constant 32 : index
        %get3A_101 = tpu.vector_load %arg14[%get3A_99, %get3A_100] {strides = array<i32>} : memref<64x256xf32, #tpu.memory_space<vmem>>, vector<1x16xf32>,
        %get3A_102 = vector.shape_cast %get3A_101 : vector<1x16xf32> to vector<16xf32>
        %mul3A_103 = arith.mulf %get3A_46, %get3A_102 : vector<16xf32>
        %add3A_104 = arith.addf %mul3A_98, %mul3A_103 : vector<16xf32>
        %get3A_105 = arith.index_cast %scan3A_38 : i32 to index
        %get3A_106 = arith.constant 32 : index
        %get3A_107 = tpu.vector_load %arg15[%get3A_105, %get3A_106] {strides = array<i32>} : memref<64x256xf32, #tpu.memory_space<vmem>>, vector<1x16xf32>,
        %get3A_108 = vector.shape_cast %get3A_107 : vector<1x16xf32> to vector<16xf32>
        %mul3A_109 = arith.mulf %get3A_50, %get3A_108 : vector<16xf32>
        %add3A_110 = arith.addf %add3A_104, %mul3A_109 : vector<16xf32>
        %swap3A_111 = arith.index_cast %scan3A_38 : i32 to index
        %swap3A_112 = arith.constant 32 : index
        %swap3A_113 = tpu.vector_load %arg19[%swap3A_111, %swap3A_112] {strides = array<i32>} : memref<64x256xf32, #tpu.memory_space<vmem>>, vector<1x16xf32>,
        %swap3A_114 = vector.shape_cast %swap3A_113 : vector<1x16xf32> to vector<16xf32>
        %swap3A_115 = vector.shape_cast %add3A_110 : vector<16xf32> to vector<1x16xf32>
        tpu.vector_store %arg19[%swap3A_111, %swap3A_112], %swap3A_115 {strides = array<i32>} : memref<64x256xf32, #tpu.memory_space<vmem>>, vector<1x16xf32>,
        %get3A_116 = arith.index_cast %scan3A_38 : i32 to index
        %get3A_117 = arith.constant 48 : index
        %get3A_118 = tpu.vector_load %arg13[%get3A_116, %get3A_117] {strides = array<i32>} : memref<64x256xf32, #tpu.memory_space<vmem>>, vector<1x16xf32>,
        %get3A_119 = vector.shape_cast %get3A_118 : vector<1x16xf32> to vector<16xf32>
        %mul3A_120 = arith.mulf %get3A_42, %get3A_119 : vector<16xf32>
        %get3A_121 = arith.index_cast %scan3A_38 : i32 to index
        %get3A_122 = arith.constant 48 : index
        %get3A_123 = tpu.vector_load %arg14[%get3A_121, %get3A_122] {strides = array<i32>} : memref<64x256xf32, #tpu.memory_space<vmem>>, vector<1x16xf32>,
        %get3A_124 = vector.shape_cast %get3A_123 : vector<1x16xf32> to vector<16xf32>
        %mul3A_125 = arith.mulf %get3A_46, %get3A_124 : vector<16xf32>
        %add3A_126 = arith.addf %mul3A_120, %mul3A_125 : vector<16xf32>
        %get3A_127 = arith.index_cast %scan3A_38 : i32 to index
        %get3A_128 = arith.constant 48 : index
        %get3A_129 = tpu.vector_load %arg15[%get3A_127, %get3A_128] {strides = array<i32>} : memref<64x256xf32, #tpu.memory_space<vmem>>, vector<1x16xf32>,
        %get3A_130 = vector.shape_cast %get3A_129 : vector<1x16xf32> to vector<16xf32>
        %mul3A_131 = arith.mulf %get3A_50, %get3A_130 : vector<16xf32>
        %add3A_132 = arith.addf %add3A_126, %mul3A_131 : vector<16xf32>
        %swap3A_133 = arith.index_cast %scan3A_38 : i32 to index
        %swap3A_134 = arith.constant 48 : index
        %swap3A_135 = tpu.vector_load %arg19[%swap3A_133, %swap3A_134] {strides = array<i32>} : memref<64x256xf32, #tpu.memory_space<vmem>>, vector<1x16xf32>,
        %swap3A_136 = vector.shape_cast %swap3A_135 : vector<1x16xf32> to vector<16xf32>
        %swap3A_137 = vector.shape_cast %add3A_132 : vector<16xf32> to vector<1x16xf32>
        tpu.vector_store %arg19[%swap3A_133, %swap3A_134], %swap3A_137 {strides = array<i32>} : memref<64x256xf32, #tpu.memory_space<vmem>>, vector<1x16xf32>,
        %get3A_138 = arith.index_cast %scan3A_38 : i32 to index
        %get3A_139 = arith.constant 64 : index
        %get3A_140 = tpu.vector_load %arg13[%get3A_138, %get3A_139] {strides = array<i32>} : memref<64x256xf32, #tpu.memory_space<vmem>>, vector<1x16xf32>,
        %get3A_141 = vector.shape_cast %get3A_140 : vector<1x16xf32> to vector<16xf32>
        %mul3A_142 = arith.mulf %get3A_42, %get3A_141 : vector<16xf32>
        %get3A_143 = arith.index_cast %scan3A_38 : i32 to index
        %get3A_144 = arith.constant 64 : index
        %get3A_145 = tpu.vector_load %arg14[%get3A_143, %get3A_144] {strides = array<i32>} : memref<64x256xf32, #tpu.memory_space<vmem>>, vector<1x16xf32>,
        %get3A_146 = vector.shape_cast %get3A_145 : vector<1x16xf32> to vector<16xf32>
        %mul3A_147 = arith.mulf %get3A_46, %get3A_146 : vector<16xf32>
        %add3A_148 = arith.addf %mul3A_142, %mul3A_147 : vector<16xf32>
        %get3A_149 = arith.index_cast %scan3A_38 : i32 to index
        %get3A_150 = arith.constant 64 : index
        %get3A_151 = tpu.vector_load %arg15[%get3A_149, %get3A_150] {strides = array<i32>} : memref<64x256xf32, #tpu.memory_space<vmem>>, vector<1x16xf32>,
        %get3A_152 = vector.shape_cast %get3A_151 : vector<1x16xf32> to vector<16xf32>
        %mul3A_153 = arith.mulf %get3A_50, %get3A_152 : vector<16xf32>
        %add3A_154 = arith.addf %add3A_148, %mul3A_153 : vector<16xf32>
        %swap3A_155 = arith.index_cast %scan3A_38 : i32 to index
        %swap3A_156 = arith.constant 64 : index
        %swap3A_157 = tpu.vector_load %arg19[%swap3A_155, %swap3A_156] {strides = array<i32>} : memref<64x256xf32, #tpu.memory_space<vmem>>, vector<1x16xf32>,
        %swap3A_158 = vector.shape_cast %swap3A_157 : vector<1x16xf32> to vector<16xf32>
        %swap3A_159 = vector.shape_cast %add3A_154 : vector<16xf32> to vector<1x16xf32>
        tpu.vector_store %arg19[%swap3A_155, %swap3A_156], %swap3A_159 {strides = array<i32>} : memref<64x256xf32, #tpu.memory_space<vmem>>, vector<1x16xf32>,
        %get3A_160 = arith.index_cast %scan3A_38 : i32 to index
        %get3A_161 = arith.constant 80 : index
        %get3A_162 = tpu.vector_load %arg13[%get3A_160, %get3A_161] {strides = array<i32>} : memref<64x256xf32, #tpu.memory_space<vmem>>, vector<1x16xf32>,
        %get3A_163 = vector.shape_cast %get3A_162 : vector<1x16xf32> to vector<16xf32>
        %mul3A_164 = arith.mulf %get3A_42, %get3A_163 : vector<16xf32>
        %get3A_165 = arith.index_cast %scan3A_38 : i32 to index
        %get3A_166 = arith.constant 80 : index
        %get3A_167 = tpu.vector_load %arg14[%get3A_165, %get3A_166] {strides = array<i32>} : memref<64x256xf32, #tpu.memory_space<vmem>>, vector<1x16xf32>,
        %get3A_168 = vector.shape_cast %get3A_167 : vector<1x16xf32> to vector<16xf32>
        %mul3A_169 = arith.mulf %get3A_46, %get3A_168 : vector<16xf32>
        %add3A_170 = arith.addf %mul3A_164, %mul3A_169 : vector<16xf32>
        %get3A_171 = arith.index_cast %scan3A_38 : i32 to index
        %get3A_172 = arith.constant 80 : index
        %get3A_173 = tpu.vector_load %arg15[%get3A_171, %get3A_172] {strides = array<i32>} : memref<64x256xf32, #tpu.memory_space<vmem>>, vector<1x16xf32>,
        %get3A_174 = vector.shape_cast %get3A_173 : vector<1x16xf32> to vector<16xf32>
        %mul3A_175 = arith.mulf %get3A_50, %get3A_174 : vector<16xf32>
        %add3A_176 = arith.addf %add3A_170, %mul3A_175 : vector<16xf32>
        %swap3A_177 = arith.index_cast %scan3A_38 : i32 to index
        %swap3A_178 = arith.constant 80 : index
        %swap3A_179 = tpu.vector_load %arg19[%swap3A_177, %swap3A_178] {strides = array<i32>} : memref<64x256xf32, #tpu.memory_space<vmem>>, vector<1x16xf32>,
        %swap3A_180 = vector.shape_cast %swap3A_179 : vector<1x16xf32> to vector<16xf32>
        %swap3A_181 = vector.shape_cast %add3A_176 : vector<16xf32> to vector<1x16xf32>
        tpu.vector_store %arg19[%swap3A_177, %swap3A_178], %swap3A_181 {strides = array<i32>} : memref<64x256xf32, #tpu.memory_space<vmem>>, vector<1x16xf32>,
        %get3A_182 = arith.index_cast %scan3A_38 : i32 to index
        %get3A_183 = arith.constant 96 : index
        %get3A_184 = tpu.vector_load %arg13[%get3A_182, %get3A_183] {strides = array<i32>} : memref<64x256xf32, #tpu.memory_space<vmem>>, vector<1x16xf32>,
        %get3A_185 = vector.shape_cast %get3A_184 : vector<1x16xf32> to vector<16xf32>
        %mul3A_186 = arith.mulf %get3A_42, %get3A_185 : vector<16xf32>
        %get3A_187 = arith.index_cast %scan3A_38 : i32 to index
        %get3A_188 = arith.constant 96 : index
        %get3A_189 = tpu.vector_load %arg14[%get3A_187, %get3A_188] {strides = array<i32>} : memref<64x256xf32, #tpu.memory_space<vmem>>, vector<1x16xf32>,
        %get3A_190 = vector.shape_cast %get3A_189 : vector<1x16xf32> to vector<16xf32>
        %mul3A_191 = arith.mulf %get3A_46, %get3A_190 : vector<16xf32>
        %add3A_192 = arith.addf %mul3A_186, %mul3A_191 : vector<16xf32>
        %get3A_193 = arith.index_cast %scan3A_38 : i32 to index
        %get3A_194 = arith.constant 96 : index
        %get3A_195 = tpu.vector_load %arg15[%get3A_193, %get3A_194] {strides = array<i32>} : memref<64x256xf32, #tpu.memory_space<vmem>>, vector<1x16xf32>,
        %get3A_196 = vector.shape_cast %get3A_195 : vector<1x16xf32> to vector<16xf32>
        %mul3A_197 = arith.mulf %get3A_50, %get3A_196 : vector<16xf32>
        %add3A_198 = arith.addf %add3A_192, %mul3A_197 : vector<16xf32>
        %swap3A_199 = arith.index_cast %scan3A_38 : i32 to index
        %swap3A_200 = arith.constant 96 : index
        %swap3A_201 = tpu.vector_load %arg19[%swap3A_199, %swap3A_200] {strides = array<i32>} : memref<64x256xf32, #tpu.memory_space<vmem>>, vector<1x16xf32>,
        %swap3A_202 = vector.shape_cast %swap3A_201 : vector<1x16xf32> to vector<16xf32>
        %swap3A_203 = vector.shape_cast %add3A_198 : vector<16xf32> to vector<1x16xf32>
        tpu.vector_store %arg19[%swap3A_199, %swap3A_200], %swap3A_203 {strides = array<i32>} : memref<64x256xf32, #tpu.memory_space<vmem>>, vector<1x16xf32>,
        %get3A_204 = arith.index_cast %scan3A_38 : i32 to index
        %get3A_205 = arith.constant 112 : index
        %get3A_206 = tpu.vector_load %arg13[%get3A_204, %get3A_205] {strides = array<i32>} : memref<64x256xf32, #tpu.memory_space<vmem>>, vector<1x16xf32>,
        %get3A_207 = vector.shape_cast %get3A_206 : vector<1x16xf32> to vector<16xf32>
        %mul3A_208 = arith.mulf %get3A_42, %get3A_207 : vector<16xf32>
        %get3A_209 = arith.index_cast %scan3A_38 : i32 to index
        %get3A_210 = arith.constant 112 : index
        %get3A_211 = tpu.vector_load %arg14[%get3A_209, %get3A_210] {strides = array<i32>} : memref<64x256xf32, #tpu.memory_space<vmem>>, vector<1x16xf32>,
        %get3A_212 = vector.shape_cast %get3A_211 : vector<1x16xf32> to vector<16xf32>
        %mul3A_213 = arith.mulf %get3A_46, %get3A_212 : vector<16xf32>
        %add3A_214 = arith.addf %mul3A_208, %mul3A_213 : vector<16xf32>
        %get3A_215 = arith.index_cast %scan3A_38 : i32 to index
        %get3A_216 = arith.constant 112 : index
        %get3A_217 = tpu.vector_load %arg15[%get3A_215, %get3A_216] {strides = array<i32>} : memref<64x256xf32, #tpu.memory_space<vmem>>, vector<1x16xf32>,
        %get3A_218 = vector.shape_cast %get3A_217 : vector<1x16xf32> to vector<16xf32>
        %mul3A_219 = arith.mulf %get3A_50, %get3A_218 : vector<16xf32>
        %add3A_220 = arith.addf %add3A_214, %mul3A_219 : vector<16xf32>
        %swap3A_221 = arith.index_cast %scan3A_38 : i32 to index
        %swap3A_222 = arith.constant 112 : index
        %swap3A_223 = tpu.vector_load %arg19[%swap3A_221, %swap3A_222] {strides = array<i32>} : memref<64x256xf32, #tpu.memory_space<vmem>>, vector<1x16xf32>,
        %swap3A_224 = vector.shape_cast %swap3A_223 : vector<1x16xf32> to vector<16xf32>
        %swap3A_225 = vector.shape_cast %add3A_220 : vector<16xf32> to vector<1x16xf32>
        tpu.vector_store %arg19[%swap3A_221, %swap3A_222], %swap3A_225 {strides = array<i32>} : memref<64x256xf32, #tpu.memory_space<vmem>>, vector<1x16xf32>,
        %get3A_226 = arith.index_cast %scan3A_38 : i32 to index
        %get3A_227 = arith.constant 128 : index
        %get3A_228 = tpu.vector_load %arg13[%get3A_226, %get3A_227] {strides = array<i32>} : memref<64x256xf32, #tpu.memory_space<vmem>>, vector<1x16xf32>,
        %get3A_229 = vector.shape_cast %get3A_228 : vector<1x16xf32> to vector<16xf32>
        %mul3A_230 = arith.mulf %get3A_42, %get3A_229 : vector<16xf32>
        %get3A_231 = arith.index_cast %scan3A_38 : i32 to index
        %get3A_232 = arith.constant 128 : index
        %get3A_233 = tpu.vector_load %arg14[%get3A_231, %get3A_232] {strides = array<i32>} : memref<64x256xf32, #tpu.memory_space<vmem>>, vector<1x16xf32>,
        %get3A_234 = vector.shape_cast %get3A_233 : vector<1x16xf32> to vector<16xf32>
        %mul3A_235 = arith.mulf %get3A_46, %get3A_234 : vector<16xf32>
        %add3A_236 = arith.addf %mul3A_230, %mul3A_235 : vector<16xf32>
        %get3A_237 = arith.index_cast %scan3A_38 : i32 to index
        %get3A_238 = arith.constant 128 : index
        %get3A_239 = tpu.vector_load %arg15[%get3A_237, %get3A_238] {strides = array<i32>} : memref<64x256xf32, #tpu.memory_space<vmem>>, vector<1x16xf32>,
        %get3A_240 = vector.shape_cast %get3A_239 : vector<1x16xf32> to vector<16xf32>
        %mul3A_241 = arith.mulf %get3A_50, %get3A_240 : vector<16xf32>
        %add3A_242 = arith.addf %add3A_236, %mul3A_241 : vector<16xf32>
        %swap3A_243 = arith.index_cast %scan3A_38 : i32 to index
        %swap3A_244 = arith.constant 128 : index
        %swap3A_245 = tpu.vector_load %arg19[%swap3A_243, %swap3A_244] {strides = array<i32>} : memref<64x256xf32, #tpu.memory_space<vmem>>, vector<1x16xf32>,
        %swap3A_246 = vector.shape_cast %swap3A_245 : vector<1x16xf32> to vector<16xf32>
        %swap3A_247 = vector.shape_cast %add3A_242 : vector<16xf32> to vector<1x16xf32>
        tpu.vector_store %arg19[%swap3A_243, %swap3A_244], %swap3A_247 {strides = array<i32>} : memref<64x256xf32, #tpu.memory_space<vmem>>, vector<1x16xf32>,
        %get3A_248 = arith.index_cast %scan3A_38 : i32 to index
        %get3A_249 = arith.constant 144 : index
        %get3A_250 = tpu.vector_load %arg13[%get3A_248, %get3A_249] {strides = array<i32>} : memref<64x256xf32, #tpu.memory_space<vmem>>, vector<1x16xf32>,
        %get3A_251 = vector.shape_cast %get3A_250 : vector<1x16xf32> to vector<16xf32>
        %mul3A_252 = arith.mulf %get3A_42, %get3A_251 : vector<16xf32>
        %get3A_253 = arith.index_cast %scan3A_38 : i32 to index
        %get3A_254 = arith.constant 144 : index
        %get3A_255 = tpu.vector_load %arg14[%get3A_253, %get3A_254] {strides = array<i32>} : memref<64x256xf32, #tpu.memory_space<vmem>>, vector<1x16xf32>,
        %get3A_256 = vector.shape_cast %get3A_255 : vector<1x16xf32> to vector<16xf32>
        %mul3A_257 = arith.mulf %get3A_46, %get3A_256 : vector<16xf32>
        %add3A_258 = arith.addf %mul3A_252, %mul3A_257 : vector<16xf32>
        %get3A_259 = arith.index_cast %scan3A_38 : i32 to index
        %get3A_260 = arith.constant 144 : index
        %get3A_261 = tpu.vector_load %arg15[%get3A_259, %get3A_260] {strides = array<i32>} : memref<64x256xf32, #tpu.memory_space<vmem>>, vector<1x16xf32>,
        %get3A_262 = vector.shape_cast %get3A_261 : vector<1x16xf32> to vector<16xf32>
        %mul3A_263 = arith.mulf %get3A_50, %get3A_262 : vector<16xf32>
        %add3A_264 = arith.addf %add3A_258, %mul3A_263 : vector<16xf32>
        %swap3A_265 = arith.index_cast %scan3A_38 : i32 to index
        %swap3A_266 = arith.constant 144 : index
        %swap3A_267 = tpu.vector_load %arg19[%swap3A_265, %swap3A_266] {strides = array<i32>} : memref<64x256xf32, #tpu.memory_space<vmem>>, vector<1x16xf32>,
        %swap3A_268 = vector.shape_cast %swap3A_267 : vector<1x16xf32> to vector<16xf32>
        %swap3A_269 = vector.shape_cast %add3A_264 : vector<16xf32> to vector<1x16xf32>
        tpu.vector_store %arg19[%swap3A_265, %swap3A_266], %swap3A_269 {strides = array<i32>} : memref<64x256xf32, #tpu.memory_space<vmem>>, vector<1x16xf32>,
        %get3A_270 = arith.index_cast %scan3A_38 : i32 to index
        %get3A_271 = arith.constant 160 : index
        %get3A_272 = tpu.vector_load %arg13[%get3A_270, %get3A_271] {strides = array<i32>} : memref<64x256xf32, #tpu.memory_space<vmem>>, vector<1x16xf32>,
        %get3A_273 = vector.shape_cast %get3A_272 : vector<1x16xf32> to vector<16xf32>
        %mul3A_274 = arith.mulf %get3A_42, %get3A_273 : vector<16xf32>
        %get3A_275 = arith.index_cast %scan3A_38 : i32 to index
        %get3A_276 = arith.constant 160 : index
        %get3A_277 = tpu.vector_load %arg14[%get3A_275, %get3A_276] {strides = array<i32>} : memref<64x256xf32, #tpu.memory_space<vmem>>, vector<1x16xf32>,
        %get3A_278 = vector.shape_cast %get3A_277 : vector<1x16xf32> to vector<16xf32>
        %mul3A_279 = arith.mulf %get3A_46, %get3A_278 : vector<16xf32>
        %add3A_280 = arith.addf %mul3A_274, %mul3A_279 : vector<16xf32>
        %get3A_281 = arith.index_cast %scan3A_38 : i32 to index
        %get3A_282 = arith.constant 160 : index
        %get3A_283 = tpu.vector_load %arg15[%get3A_281, %get3A_282] {strides = array<i32>} : memref<64x256xf32, #tpu.memory_space<vmem>>, vector<1x16xf32>,
        %get3A_284 = vector.shape_cast %get3A_283 : vector<1x16xf32> to vector<16xf32>
        %mul3A_285 = arith.mulf %get3A_50, %get3A_284 : vector<16xf32>
        %add3A_286 = arith.addf %add3A_280, %mul3A_285 : vector<16xf32>
        %swap3A_287 = arith.index_cast %scan3A_38 : i32 to index
        %swap3A_288 = arith.constant 160 : index
        %swap3A_289 = tpu.vector_load %arg19[%swap3A_287, %swap3A_288] {strides = array<i32>} : memref<64x256xf32, #tpu.memory_space<vmem>>, vector<1x16xf32>,
        %swap3A_290 = vector.shape_cast %swap3A_289 : vector<1x16xf32> to vector<16xf32>
        %swap3A_291 = vector.shape_cast %add3A_286 : vector<16xf32> to vector<1x16xf32>
        tpu.vector_store %arg19[%swap3A_287, %swap3A_288], %swap3A_291 {strides = array<i32>} : memref<64x256xf32, #tpu.memory_space<vmem>>, vector<1x16xf32>,
        %get3A_292 = arith.index_cast %scan3A_38 : i32 to index
        %get3A_293 = arith.constant 176 : index
        %get3A_294 = tpu.vector_load %arg13[%get3A_292, %get3A_293] {strides = array<i32>} : memref<64x256xf32, #tpu.memory_space<vmem>>, vector<1x16xf32>,
        %get3A_295 = vector.shape_cast %get3A_294 : vector<1x16xf32> to vector<16xf32>
        %mul3A_296 = arith.mulf %get3A_42, %get3A_295 : vector<16xf32>
        %get3A_297 = arith.index_cast %scan3A_38 : i32 to index
        %get3A_298 = arith.constant 176 : index
        %get3A_299 = tpu.vector_load %arg14[%get3A_297, %get3A_298] {strides = array<i32>} : memref<64x256xf32, #tpu.memory_space<vmem>>, vector<1x16xf32>,
        %get3A_300 = vector.shape_cast %get3A_299 : vector<1x16xf32> to vector<16xf32>
        %mul3A_301 = arith.mulf %get3A_46, %get3A_300 : vector<16xf32>
        %add3A_302 = arith.addf %mul3A_296, %mul3A_301 : vector<16xf32>
        %get3A_303 = arith.index_cast %scan3A_38 : i32 to index
        %get3A_304 = arith.constant 176 : index
        %get3A_305 = tpu.vector_load %arg15[%get3A_303, %get3A_304] {strides = array<i32>} : memref<64x256xf32, #tpu.memory_space<vmem>>, vector<1x16xf32>,
        %get3A_306 = vector.shape_cast %get3A_305 : vector<1x16xf32> to vector<16xf32>
        %mul3A_307 = arith.mulf %get3A_50, %get3A_306 : vector<16xf32>
        %add3A_308 = arith.addf %add3A_302, %mul3A_307 : vector<16xf32>
        %swap3A_309 = arith.index_cast %scan3A_38 : i32 to index
        %swap3A_310 = arith.constant 176 : index
        %swap3A_311 = tpu.vector_load %arg19[%swap3A_309, %swap3A_310] {strides = array<i32>} : memref<64x256xf32, #tpu.memory_space<vmem>>, vector<1x16xf32>,
        %swap3A_312 = vector.shape_cast %swap3A_311 : vector<1x16xf32> to vector<16xf32>
        %swap3A_313 = vector.shape_cast %add3A_308 : vector<16xf32> to vector<1x16xf32>
        tpu.vector_store %arg19[%swap3A_309, %swap3A_310], %swap3A_313 {strides = array<i32>} : memref<64x256xf32, #tpu.memory_space<vmem>>, vector<1x16xf32>,
        %get3A_314 = arith.index_cast %scan3A_38 : i32 to index
        %get3A_315 = arith.constant 192 : index
        %get3A_316 = tpu.vector_load %arg13[%get3A_314, %get3A_315] {strides = array<i32>} : memref<64x256xf32, #tpu.memory_space<vmem>>, vector<1x16xf32>,
        %get3A_317 = vector.shape_cast %get3A_316 : vector<1x16xf32> to vector<16xf32>
        %mul3A_318 = arith.mulf %get3A_42, %get3A_317 : vector<16xf32>
        %get3A_319 = arith.index_cast %scan3A_38 : i32 to index
        %get3A_320 = arith.constant 192 : index
        %get3A_321 = tpu.vector_load %arg14[%get3A_319, %get3A_320] {strides = array<i32>} : memref<64x256xf32, #tpu.memory_space<vmem>>, vector<1x16xf32>,
        %get3A_322 = vector.shape_cast %get3A_321 : vector<1x16xf32> to vector<16xf32>
        %mul3A_323 = arith.mulf %get3A_46, %get3A_322 : vector<16xf32>
        %add3A_324 = arith.addf %mul3A_318, %mul3A_323 : vector<16xf32>
        %get3A_325 = arith.index_cast %scan3A_38 : i32 to index
        %get3A_326 = arith.constant 192 : index
        %get3A_327 = tpu.vector_load %arg15[%get3A_325, %get3A_326] {strides = array<i32>} : memref<64x256xf32, #tpu.memory_space<vmem>>, vector<1x16xf32>,
        %get3A_328 = vector.shape_cast %get3A_327 : vector<1x16xf32> to vector<16xf32>
        %mul3A_329 = arith.mulf %get3A_50, %get3A_328 : vector<16xf32>
        %add3A_330 = arith.addf %add3A_324, %mul3A_329 : vector<16xf32>
        %swap3A_331 = arith.index_cast %scan3A_38 : i32 to index
        %swap3A_332 = arith.constant 192 : index
        %swap3A_333 = tpu.vector_load %arg19[%swap3A_331, %swap3A_332] {strides = array<i32>} : memref<64x256xf32, #tpu.memory_space<vmem>>, vector<1x16xf32>,
        %swap3A_334 = vector.shape_cast %swap3A_333 : vector<1x16xf32> to vector<16xf32>
        %swap3A_335 = vector.shape_cast %add3A_330 : vector<16xf32> to vector<1x16xf32>
        tpu.vector_store %arg19[%swap3A_331, %swap3A_332], %swap3A_335 {strides = array<i32>} : memref<64x256xf32, #tpu.memory_space<vmem>>, vector<1x16xf32>,
        %get3A_336 = arith.index_cast %scan3A_38 : i32 to index
        %get3A_337 = arith.constant 208 : index
        %get3A_338 = tpu.vector_load %arg13[%get3A_336, %get3A_337] {strides = array<i32>} : memref<64x256xf32, #tpu.memory_space<vmem>>, vector<1x16xf32>,
        %get3A_339 = vector.shape_cast %get3A_338 : vector<1x16xf32> to vector<16xf32>
        %mul3A_340 = arith.mulf %get3A_42, %get3A_339 : vector<16xf32>
        %get3A_341 = arith.index_cast %scan3A_38 : i32 to index
        %get3A_342 = arith.constant 208 : index
        %get3A_343 = tpu.vector_load %arg14[%get3A_341, %get3A_342] {strides = array<i32>} : memref<64x256xf32, #tpu.memory_space<vmem>>, vector<1x16xf32>,
        %get3A_344 = vector.shape_cast %get3A_343 : vector<1x16xf32> to vector<16xf32>
        %mul3A_345 = arith.mulf %get3A_46, %get3A_344 : vector<16xf32>
        %add3A_346 = arith.addf %mul3A_340, %mul3A_345 : vector<16xf32>
        %get3A_347 = arith.index_cast %scan3A_38 : i32 to index
        %get3A_348 = arith.constant 208 : index
        %get3A_349 = tpu.vector_load %arg15[%get3A_347, %get3A_348] {strides = array<i32>} : memref<64x256xf32, #tpu.memory_space<vmem>>, vector<1x16xf32>,
        %get3A_350 = vector.shape_cast %get3A_349 : vector<1x16xf32> to vector<16xf32>
        %mul3A_351 = arith.mulf %get3A_50, %get3A_350 : vector<16xf32>
        %add3A_352 = arith.addf %add3A_346, %mul3A_351 : vector<16xf32>
        %swap3A_353 = arith.index_cast %scan3A_38 : i32 to index
        %swap3A_354 = arith.constant 208 : index
        %swap3A_355 = tpu.vector_load %arg19[%swap3A_353, %swap3A_354] {strides = array<i32>} : memref<64x256xf32, #tpu.memory_space<vmem>>, vector<1x16xf32>,
        %swap3A_356 = vector.shape_cast %swap3A_355 : vector<1x16xf32> to vector<16xf32>
        %swap3A_357 = vector.shape_cast %add3A_352 : vector<16xf32> to vector<1x16xf32>
        tpu.vector_store %arg19[%swap3A_353, %swap3A_354], %swap3A_357 {strides = array<i32>} : memref<64x256xf32, #tpu.memory_space<vmem>>, vector<1x16xf32>,
        %get3A_358 = arith.index_cast %scan3A_38 : i32 to index
        %get3A_359 = arith.constant 224 : index
        %get3A_360 = tpu.vector_load %arg13[%get3A_358, %get3A_359] {strides = array<i32>} : memref<64x256xf32, #tpu.memory_space<vmem>>, vector<1x16xf32>,
        %get3A_361 = vector.shape_cast %get3A_360 : vector<1x16xf32> to vector<16xf32>
        %mul3A_362 = arith.mulf %get3A_42, %get3A_361 : vector<16xf32>
        %get3A_363 = arith.index_cast %scan3A_38 : i32 to index
        %get3A_364 = arith.constant 224 : index
        %get3A_365 = tpu.vector_load %arg14[%get3A_363, %get3A_364] {strides = array<i32>} : memref<64x256xf32, #tpu.memory_space<vmem>>, vector<1x16xf32>,
        %get3A_366 = vector.shape_cast %get3A_365 : vector<1x16xf32> to vector<16xf32>
        %mul3A_367 = arith.mulf %get3A_46, %get3A_366 : vector<16xf32>
        %add3A_368 = arith.addf %mul3A_362, %mul3A_367 : vector<16xf32>
        %get3A_369 = arith.index_cast %scan3A_38 : i32 to index
        %get3A_370 = arith.constant 224 : index
        %get3A_371 = tpu.vector_load %arg15[%get3A_369, %get3A_370] {strides = array<i32>} : memref<64x256xf32, #tpu.memory_space<vmem>>, vector<1x16xf32>,
        %get3A_372 = vector.shape_cast %get3A_371 : vector<1x16xf32> to vector<16xf32>
        %mul3A_373 = arith.mulf %get3A_50, %get3A_372 : vector<16xf32>
        %add3A_374 = arith.addf %add3A_368, %mul3A_373 : vector<16xf32>
        %swap3A_375 = arith.index_cast %scan3A_38 : i32 to index
        %swap3A_376 = arith.constant 224 : index
        %swap3A_377 = tpu.vector_load %arg19[%swap3A_375, %swap3A_376] {strides = array<i32>} : memref<64x256xf32, #tpu.memory_space<vmem>>, vector<1x16xf32>,
        %swap3A_378 = vector.shape_cast %swap3A_377 : vector<1x16xf32> to vector<16xf32>
        %swap3A_379 = vector.shape_cast %add3A_374 : vector<16xf32> to vector<1x16xf32>
        tpu.vector_store %arg19[%swap3A_375, %swap3A_376], %swap3A_379 {strides = array<i32>} : memref<64x256xf32, #tpu.memory_space<vmem>>, vector<1x16xf32>,
        %get3A_380 = arith.index_cast %scan3A_38 : i32 to index
        %get3A_381 = arith.constant 240 : index
        %get3A_382 = tpu.vector_load %arg13[%get3A_380, %get3A_381] {strides = array<i32>} : memref<64x256xf32, #tpu.memory_space<vmem>>, vector<1x16xf32>,
        %get3A_383 = vector.shape_cast %get3A_382 : vector<1x16xf32> to vector<16xf32>
        %mul3A_384 = arith.mulf %get3A_42, %get3A_383 : vector<16xf32>
        %get3A_385 = arith.index_cast %scan3A_38 : i32 to index
        %get3A_386 = arith.constant 240 : index
        %get3A_387 = tpu.vector_load %arg14[%get3A_385, %get3A_386] {strides = array<i32>} : memref<64x256xf32, #tpu.memory_space<vmem>>, vector<1x16xf32>,
        %get3A_388 = vector.shape_cast %get3A_387 : vector<1x16xf32> to vector<16xf32>
        %mul3A_389 = arith.mulf %get3A_46, %get3A_388 : vector<16xf32>
        %add3A_390 = arith.addf %mul3A_384, %mul3A_389 : vector<16xf32>
        %get3A_391 = arith.index_cast %scan3A_38 : i32 to index
        %get3A_392 = arith.constant 240 : index
        %get3A_393 = tpu.vector_load %arg15[%get3A_391, %get3A_392] {strides = array<i32>} : memref<64x256xf32, #tpu.memory_space<vmem>>, vector<1x16xf32>,
        %get3A_394 = vector.shape_cast %get3A_393 : vector<1x16xf32> to vector<16xf32>
        %mul3A_395 = arith.mulf %get3A_50, %get3A_394 : vector<16xf32>
        %add3A_396 = arith.addf %add3A_390, %mul3A_395 : vector<16xf32>
        %swap3A_397 = arith.index_cast %scan3A_38 : i32 to index
        %swap3A_398 = arith.constant 240 : index
        %swap3A_399 = tpu.vector_load %arg19[%swap3A_397, %swap3A_398] {strides = array<i32>} : memref<64x256xf32, #tpu.memory_space<vmem>>, vector<1x16xf32>,
        %swap3A_400 = vector.shape_cast %swap3A_399 : vector<1x16xf32> to vector<16xf32>
        %swap3A_401 = vector.shape_cast %add3A_396 : vector<16xf32> to vector<1x16xf32>
        tpu.vector_store %arg19[%swap3A_397, %swap3A_398], %swap3A_401 {strides = array<i32>} : memref<64x256xf32, #tpu.memory_space<vmem>>, vector<1x16xf32>,
        %scan3A_402 = arith.constant 0 : i32
        scf.yield %scan3A_402 : i32
      }
      %scan3A_36 = arith.constant 64 : i32
      "tpu.region"() ({
        %run_scoped3A = tpu.sem_alloc : memref<!tpu.dma_semaphore, #tpu.memory_space<semaphore_mem>>
        %dma_start3A_38 = arith.constant 0 : i32
        %dma_start3A_39 = tpu.memref_slice %arg9[%add3A_13, %dma_start3A_38] : memref<65536x256xf32, #tpu.memory_space<hbm>> -> memref<64x256xf32, #tpu.memory_space<hbm>>
        %dma_start3A_40 = arith.constant 0 : i32
        %dma_start3A_41 = tpu.memref_slice %arg9[%add3A_13, %dma_start3A_40] : memref<65536x256xf32, #tpu.memory_space<hbm>> -> memref<64x256xf32, #tpu.memory_space<hbm>>
        tpu.enqueue_dma source(%arg19 : memref<64x256xf32, #tpu.memory_space<vmem>>) target(%dma_start3A_41 : memref<64x256xf32, #tpu.memory_space<hbm>>) target_semaphore(%run_scoped3A : memref<!tpu.dma_semaphore, #tpu.memory_space<semaphore_mem>>)
        %dma_wait3A_42 = arith.constant 0 : i32
        %dma_wait3A_43 = tpu.memref_slice %arg9[%add3A_13, %dma_wait3A_42] : memref<65536x256xf32, #tpu.memory_space<hbm>> -> memref<64x256xf32, #tpu.memory_space<hbm>>
        %dma_wait3A_44 = arith.constant 0 : i32
        %dma_wait3A_45 = tpu.memref_slice %arg9[%add3A_13, %dma_wait3A_44] : memref<65536x256xf32, #tpu.memory_space<hbm>> -> memref<64x256xf32, #tpu.memory_space<hbm>>
        tpu.wait_dma2 semaphore(%run_scoped3A : memref<!tpu.dma_semaphore, #tpu.memory_space<semaphore_mem>>) src(%arg19 : memref<64x256xf32, #tpu.memory_space<vmem>>) dst(%dma_wait3A_45 : memref<64x256xf32, #tpu.memory_space<hbm>>)
        tpu.yield
      }) : () -> ()
      %scan3A_37 = arith.constant 0 : i32
      scf.yield %scan3A_37 : i32
    }
    %scan3A_8 = arith.constant 32 : i32
    return
  }
}

module attributes {stable_mosaic.version = 14 : i64} {
  func.func @_select_kernel(%arg0: i32, %arg1: i32, %arg2: memref<1x1024x3xf32, #tpu.memory_space<vmem>>, %arg3: memref<1x3x1024xf32, #tpu.memory_space<vmem>>, %arg4: memref<1x1024x1xi32, #tpu.memory_space<vmem>>, %arg5: memref<1x1024x1xi32, #tpu.memory_space<vmem>>, %arg6: memref<1x1024x1xi32, #tpu.memory_space<vmem>>, %arg7: memref<1x1024x16xf32, #tpu.memory_space<vmem>>, %arg8: memref<1x1024x16xf32, #tpu.memory_space<vmem>>, %arg9: memref<1x1024x16xf32, #tpu.memory_space<vmem>>) attributes {dimension_semantics = [#tpu.dimension_semantics<arbitrary>, #tpu.dimension_semantics<arbitrary>], iteration_bounds = array<i64: 16, 4>, scalar_prefetch = 0 : i64, scratch_operands = 0 : i64, tpu.core_type = #tpu.core_type<tc>, window_params = [{transform_indices = @transform_0, window_bounds = array<i64: 1, 1024, 3>}, {transform_indices = @transform_1, window_bounds = array<i64: 1, 3, 1024>}, {transform_indices = @transform_2, window_bounds = array<i64: 1, 1024, 1>}, {transform_indices = @transform_3, window_bounds = array<i64: 1, 1024, 1>}, {transform_indices = @transform_4, window_bounds = array<i64: 1, 1024, 1>}, {transform_indices = @transform_5, window_bounds = array<i64: 1, 1024, 16>}, {transform_indices = @transform_6, window_bounds = array<i64: 1, 1024, 16>}, {transform_indices = @transform_7, window_bounds = array<i64: 1, 1024, 16>}]} {
    %get3A = arith.constant 0 : index
    %get3A_0 = arith.constant 0 : index
    %get3A_1 = arith.constant 0 : index
    %get3A_2 = vector.load %arg2[%get3A, %get3A_0, %get3A_1] : memref<1x1024x3xf32, #tpu.memory_space<vmem>>, vector<1x1024x1xf32>
    %get3A_3 = vector.shape_cast %get3A_2 : vector<1x1024x1xf32> to vector<1024x1xf32>
    %get3A_4 = arith.constant 0 : index
    %get3A_5 = arith.constant 0 : index
    %get3A_6 = arith.constant 1 : index
    %get3A_7 = vector.load %arg2[%get3A_4, %get3A_5, %get3A_6] : memref<1x1024x3xf32, #tpu.memory_space<vmem>>, vector<1x1024x1xf32>
    %get3A_8 = vector.shape_cast %get3A_7 : vector<1x1024x1xf32> to vector<1024x1xf32>
    %get3A_9 = arith.constant 0 : index
    %get3A_10 = arith.constant 0 : index
    %get3A_11 = arith.constant 2 : index
    %get3A_12 = vector.load %arg2[%get3A_9, %get3A_10, %get3A_11] : memref<1x1024x3xf32, #tpu.memory_space<vmem>>, vector<1x1024x1xf32>
    %get3A_13 = vector.shape_cast %get3A_12 : vector<1x1024x1xf32> to vector<1024x1xf32>
    %get3A_14 = arith.constant 0 : index
    %get3A_15 = arith.constant 0 : index
    %get3A_16 = arith.constant 0 : index
    %get3A_17 = vector.load %arg3[%get3A_14, %get3A_15, %get3A_16] : memref<1x3x1024xf32, #tpu.memory_space<vmem>>, vector<1x1x1024xf32>
    %get3A_18 = vector.shape_cast %get3A_17 : vector<1x1x1024xf32> to vector<1x1024xf32>
    %get3A_19 = arith.constant 0 : index
    %get3A_20 = arith.constant 1 : index
    %get3A_21 = arith.constant 0 : index
    %get3A_22 = vector.load %arg3[%get3A_19, %get3A_20, %get3A_21] : memref<1x3x1024xf32, #tpu.memory_space<vmem>>, vector<1x1x1024xf32>
    %get3A_23 = vector.shape_cast %get3A_22 : vector<1x1x1024xf32> to vector<1x1024xf32>
    %get3A_24 = arith.constant 0 : index
    %get3A_25 = arith.constant 2 : index
    %get3A_26 = arith.constant 0 : index
    %get3A_27 = vector.load %arg3[%get3A_24, %get3A_25, %get3A_26] : memref<1x3x1024xf32, #tpu.memory_space<vmem>>, vector<1x1x1024xf32>
    %get3A_28 = vector.shape_cast %get3A_27 : vector<1x1x1024xf32> to vector<1x1024xf32>
    %sub3A = vector.broadcast %get3A_3 : vector<1024x1xf32> to vector<1024x1024xf32>
    %sub3A_29 = vector.broadcast %get3A_18 : vector<1x1024xf32> to vector<1024x1024xf32>
    %sub3A_30 = arith.subf %sub3A, %sub3A_29 : vector<1024x1024xf32>
    %sub3A_31 = vector.broadcast %get3A_8 : vector<1024x1xf32> to vector<1024x1024xf32>
    %sub3A_32 = vector.broadcast %get3A_23 : vector<1x1024xf32> to vector<1024x1024xf32>
    %sub3A_33 = arith.subf %sub3A_31, %sub3A_32 : vector<1024x1024xf32>
    %sub3A_34 = vector.broadcast %get3A_13 : vector<1024x1xf32> to vector<1024x1024xf32>
    %sub3A_35 = vector.broadcast %get3A_28 : vector<1x1024xf32> to vector<1024x1024xf32>
    %sub3A_36 = arith.subf %sub3A_34, %sub3A_35 : vector<1024x1024xf32>
    %mul3A = arith.mulf %sub3A_30, %sub3A_30 : vector<1024x1024xf32>
    %mul3A_37 = arith.mulf %sub3A_33, %sub3A_33 : vector<1024x1024xf32>
    %add3A = arith.addf %mul3A, %mul3A_37 : vector<1024x1024xf32>
    %mul3A_38 = arith.mulf %sub3A_36, %sub3A_36 : vector<1024x1024xf32>
    %add3A_39 = arith.addf %add3A, %mul3A_38 : vector<1024x1024xf32>
    %iota3A = tpu.iota {dimensions = array<i32: 1>} : vector<1024x1024xi32>
    %bitcast_convert_type3A = tpu.bitcast %add3A_39 : vector<1024x1024xf32> -> vector<1024x1024xi32>
    %and3A = arith.constant -1024 : i32
    %and3A_40 = vector.broadcast %and3A : i32 to vector<1024x1024xi32>
    %and3A_41 = arith.andi %bitcast_convert_type3A, %and3A_40 : vector<1024x1024xi32>
    %or3A = arith.ori %and3A_41, %iota3A : vector<1024x1024xi32>
    %reduce_min3A = arith.constant dense<2147483647> : vector<1024xi32>
    %reduce_min3A_42 = vector.multi_reduction <minsi>, %or3A, %reduce_min3A [1] : vector<1024x1024xi32> to vector<1024xi32>
    %broadcast_in_dim3A = vector.shape_cast %reduce_min3A_42 : vector<1024xi32> to vector<1024x1xi32>
    %gt3A = vector.broadcast %broadcast_in_dim3A : vector<1024x1xi32> to vector<1024x1024xi32>
    %gt3A_43 = arith.cmpi sgt, %or3A, %gt3A : vector<1024x1024xi32>
    %jit3A = arith.constant 2147483647 : i32
    %broadcast_in_dim3A_44 = vector.broadcast %jit3A : i32 to vector<1024x1024xi32>
    %select_n3A = arith.select %gt3A_43, %or3A, %broadcast_in_dim3A_44 : vector<1024x1024xi1>, vector<1024x1024xi32>
    %reduce_min3A_45 = arith.constant dense<2147483647> : vector<1024xi32>
    %reduce_min3A_46 = vector.multi_reduction <minsi>, %select_n3A, %reduce_min3A_45 [1] : vector<1024x1024xi32> to vector<1024xi32>
    %broadcast_in_dim3A_47 = vector.shape_cast %reduce_min3A_46 : vector<1024xi32> to vector<1024x1xi32>
    %gt3A_48 = vector.broadcast %broadcast_in_dim3A_47 : vector<1024x1xi32> to vector<1024x1024xi32>
    %gt3A_49 = arith.cmpi sgt, %select_n3A, %gt3A_48 : vector<1024x1024xi32>
    %jit3A_50 = arith.constant 2147483647 : i32
    %broadcast_in_dim3A_51 = vector.broadcast %jit3A_50 : i32 to vector<1024x1024xi32>
    %select_n3A_52 = arith.select %gt3A_49, %select_n3A, %broadcast_in_dim3A_51 : vector<1024x1024xi1>, vector<1024x1024xi32>
    %reduce_min3A_53 = arith.constant dense<2147483647> : vector<1024xi32>
    %reduce_min3A_54 = vector.multi_reduction <minsi>, %select_n3A_52, %reduce_min3A_53 [1] : vector<1024x1024xi32> to vector<1024xi32>
    %broadcast_in_dim3A_55 = vector.shape_cast %reduce_min3A_54 : vector<1024xi32> to vector<1024x1xi32>
    %and3A_56 = arith.constant 1023 : i32
    %and3A_57 = vector.broadcast %and3A_56 : i32 to vector<1024x1xi32>
    %and3A_58 = arith.andi %broadcast_in_dim3A, %and3A_57 : vector<1024x1xi32>
    %and3A_59 = arith.constant -1024 : i32
    %and3A_60 = vector.broadcast %and3A_59 : i32 to vector<1024x1xi32>
    %and3A_61 = arith.andi %broadcast_in_dim3A, %and3A_60 : vector<1024x1xi32>
    %bitcast_convert_type3A_62 = tpu.bitcast %and3A_61 : vector<1024x1xi32> -> vector<1024x1xf32>
    %max3A = arith.constant 1.000000e-10 : f32
    %max3A_63 = vector.broadcast %max3A : f32 to vector<1024x1xf32>
    %max3A_64 = arith.maximumf %bitcast_convert_type3A_62, %max3A_63 : vector<1024x1xf32>
    %div3A = arith.constant 1.000000e+00 : f32
    %div3A_65 = vector.broadcast %div3A : f32 to vector<1024x1xf32>
    %div3A_66 = arith.divf %div3A_65, %max3A_64 : vector<1024x1xf32>
    %and3A_67 = arith.constant 1023 : i32
    %and3A_68 = vector.broadcast %and3A_67 : i32 to vector<1024x1xi32>
    %and3A_69 = arith.andi %broadcast_in_dim3A_47, %and3A_68 : vector<1024x1xi32>
    %and3A_70 = arith.constant -1024 : i32
    %and3A_71 = vector.broadcast %and3A_70 : i32 to vector<1024x1xi32>
    %and3A_72 = arith.andi %broadcast_in_dim3A_47, %and3A_71 : vector<1024x1xi32>
    %bitcast_convert_type3A_73 = tpu.bitcast %and3A_72 : vector<1024x1xi32> -> vector<1024x1xf32>
    %max3A_74 = arith.constant 1.000000e-10 : f32
    %max3A_75 = vector.broadcast %max3A_74 : f32 to vector<1024x1xf32>
    %max3A_76 = arith.maximumf %bitcast_convert_type3A_73, %max3A_75 : vector<1024x1xf32>
    %div3A_77 = arith.constant 1.000000e+00 : f32
    %div3A_78 = vector.broadcast %div3A_77 : f32 to vector<1024x1xf32>
    %div3A_79 = arith.divf %div3A_78, %max3A_76 : vector<1024x1xf32>
    %and3A_80 = arith.constant 1023 : i32
    %and3A_81 = vector.broadcast %and3A_80 : i32 to vector<1024x1xi32>
    %and3A_82 = arith.andi %broadcast_in_dim3A_55, %and3A_81 : vector<1024x1xi32>
    %and3A_83 = arith.constant -1024 : i32
    %and3A_84 = vector.broadcast %and3A_83 : i32 to vector<1024x1xi32>
    %and3A_85 = arith.andi %broadcast_in_dim3A_55, %and3A_84 : vector<1024x1xi32>
    %bitcast_convert_type3A_86 = tpu.bitcast %and3A_85 : vector<1024x1xi32> -> vector<1024x1xf32>
    %max3A_87 = arith.constant 1.000000e-10 : f32
    %max3A_88 = vector.broadcast %max3A_87 : f32 to vector<1024x1xf32>
    %max3A_89 = arith.maximumf %bitcast_convert_type3A_86, %max3A_88 : vector<1024x1xf32>
    %div3A_90 = arith.constant 1.000000e+00 : f32
    %div3A_91 = vector.broadcast %div3A_90 : f32 to vector<1024x1xf32>
    %div3A_92 = arith.divf %div3A_91, %max3A_89 : vector<1024x1xf32>
    %add3A_93 = arith.addf %div3A_66, %div3A_79 : vector<1024x1xf32>
    %add3A_94 = arith.addf %add3A_93, %div3A_92 : vector<1024x1xf32>
    %mul3A_95 = arith.constant 1024 : i32
    %mul3A_96 = arith.muli %arg0, %mul3A_95 : i32
    %add3A_97 = vector.broadcast %mul3A_96 : i32 to vector<1024x1xi32>
    %add3A_98 = arith.addi %and3A_58, %add3A_97 : vector<1024x1xi32>
    %swap3A = arith.constant 0 : index
    %swap3A_99 = arith.constant 0 : index
    %swap3A_100 = arith.constant 0 : index
    %swap3A_101 = vector.load %arg4[%swap3A, %swap3A_99, %swap3A_100] : memref<1x1024x1xi32, #tpu.memory_space<vmem>>, vector<1x1024x1xi32>
    %swap3A_102 = vector.shape_cast %swap3A_101 : vector<1x1024x1xi32> to vector<1024x1xi32>
    %swap3A_103 = vector.shape_cast %add3A_98 : vector<1024x1xi32> to vector<1x1024x1xi32>
    tpu.vector_store %arg4[%swap3A, %swap3A_99, %swap3A_100], %swap3A_103 {strides = array<i32>} : memref<1x1024x1xi32, #tpu.memory_space<vmem>>, vector<1x1024x1xi32>,
    %div3A_104 = arith.divf %div3A_66, %add3A_94 : vector<1024x1xf32>
    %broadcast_in_dim3A_105 = vector.shape_cast %div3A_104 : vector<1024x1xf32> to vector<1024x1xf32>
    %broadcast_in_dim3A_106 = vector.broadcast %broadcast_in_dim3A_105 : vector<1024x1xf32> to vector<1024x16xf32>
    %swap3A_107 = arith.constant 0 : index
    %swap3A_108 = arith.constant 0 : index
    %swap3A_109 = arith.constant 0 : index
    %swap3A_110 = vector.load %arg7[%swap3A_107, %swap3A_108, %swap3A_109] : memref<1x1024x16xf32, #tpu.memory_space<vmem>>, vector<1x1024x16xf32>
    %swap3A_111 = vector.shape_cast %swap3A_110 : vector<1x1024x16xf32> to vector<1024x16xf32>
    %swap3A_112 = vector.shape_cast %broadcast_in_dim3A_106 : vector<1024x16xf32> to vector<1x1024x16xf32>
    tpu.vector_store %arg7[%swap3A_107, %swap3A_108, %swap3A_109], %swap3A_112 {strides = array<i32>} : memref<1x1024x16xf32, #tpu.memory_space<vmem>>, vector<1x1024x16xf32>,
    %mul3A_113 = arith.constant 1024 : i32
    %mul3A_114 = arith.muli %arg0, %mul3A_113 : i32
    %add3A_115 = vector.broadcast %mul3A_114 : i32 to vector<1024x1xi32>
    %add3A_116 = arith.addi %and3A_69, %add3A_115 : vector<1024x1xi32>
    %swap3A_117 = arith.constant 0 : index
    %swap3A_118 = arith.constant 0 : index
    %swap3A_119 = arith.constant 0 : index
    %swap3A_120 = vector.load %arg5[%swap3A_117, %swap3A_118, %swap3A_119] : memref<1x1024x1xi32, #tpu.memory_space<vmem>>, vector<1x1024x1xi32>
    %swap3A_121 = vector.shape_cast %swap3A_120 : vector<1x1024x1xi32> to vector<1024x1xi32>
    %swap3A_122 = vector.shape_cast %add3A_116 : vector<1024x1xi32> to vector<1x1024x1xi32>
    tpu.vector_store %arg5[%swap3A_117, %swap3A_118, %swap3A_119], %swap3A_122 {strides = array<i32>} : memref<1x1024x1xi32, #tpu.memory_space<vmem>>, vector<1x1024x1xi32>,
    %div3A_123 = arith.divf %div3A_79, %add3A_94 : vector<1024x1xf32>
    %broadcast_in_dim3A_124 = vector.shape_cast %div3A_123 : vector<1024x1xf32> to vector<1024x1xf32>
    %broadcast_in_dim3A_125 = vector.broadcast %broadcast_in_dim3A_124 : vector<1024x1xf32> to vector<1024x16xf32>
    %swap3A_126 = arith.constant 0 : index
    %swap3A_127 = arith.constant 0 : index
    %swap3A_128 = arith.constant 0 : index
    %swap3A_129 = vector.load %arg8[%swap3A_126, %swap3A_127, %swap3A_128] : memref<1x1024x16xf32, #tpu.memory_space<vmem>>, vector<1x1024x16xf32>
    %swap3A_130 = vector.shape_cast %swap3A_129 : vector<1x1024x16xf32> to vector<1024x16xf32>
    %swap3A_131 = vector.shape_cast %broadcast_in_dim3A_125 : vector<1024x16xf32> to vector<1x1024x16xf32>
    tpu.vector_store %arg8[%swap3A_126, %swap3A_127, %swap3A_128], %swap3A_131 {strides = array<i32>} : memref<1x1024x16xf32, #tpu.memory_space<vmem>>, vector<1x1024x16xf32>,
    %mul3A_132 = arith.constant 1024 : i32
    %mul3A_133 = arith.muli %arg0, %mul3A_132 : i32
    %add3A_134 = vector.broadcast %mul3A_133 : i32 to vector<1024x1xi32>
    %add3A_135 = arith.addi %and3A_82, %add3A_134 : vector<1024x1xi32>
    %swap3A_136 = arith.constant 0 : index
    %swap3A_137 = arith.constant 0 : index
    %swap3A_138 = arith.constant 0 : index
    %swap3A_139 = vector.load %arg6[%swap3A_136, %swap3A_137, %swap3A_138] : memref<1x1024x1xi32, #tpu.memory_space<vmem>>, vector<1x1024x1xi32>
    %swap3A_140 = vector.shape_cast %swap3A_139 : vector<1x1024x1xi32> to vector<1024x1xi32>
    %swap3A_141 = vector.shape_cast %add3A_135 : vector<1024x1xi32> to vector<1x1024x1xi32>
    tpu.vector_store %arg6[%swap3A_136, %swap3A_137, %swap3A_138], %swap3A_141 {strides = array<i32>} : memref<1x1024x1xi32, #tpu.memory_space<vmem>>, vector<1x1024x1xi32>,
    %div3A_142 = arith.divf %div3A_92, %add3A_94 : vector<1024x1xf32>
    %broadcast_in_dim3A_143 = vector.shape_cast %div3A_142 : vector<1024x1xf32> to vector<1024x1xf32>
    %broadcast_in_dim3A_144 = vector.broadcast %broadcast_in_dim3A_143 : vector<1024x1xf32> to vector<1024x16xf32>
    %swap3A_145 = arith.constant 0 : index
    %swap3A_146 = arith.constant 0 : index
    %swap3A_147 = arith.constant 0 : index
    %swap3A_148 = vector.load %arg9[%swap3A_145, %swap3A_146, %swap3A_147] : memref<1x1024x16xf32, #tpu.memory_space<vmem>>, vector<1x1024x16xf32>
    %swap3A_149 = vector.shape_cast %swap3A_148 : vector<1x1024x16xf32> to vector<1024x16xf32>
    %swap3A_150 = vector.shape_cast %broadcast_in_dim3A_144 : vector<1024x16xf32> to vector<1x1024x16xf32>
    tpu.vector_store %arg9[%swap3A_145, %swap3A_146, %swap3A_147], %swap3A_150 {strides = array<i32>} : memref<1x1024x16xf32, #tpu.memory_space<vmem>>, vector<1x1024x16xf32>,
    return
  }
  func.func @transform_0(%arg0: i32, %arg1: i32) -> (i32, i32, i32) {
    %c0_i32 = arith.constant 0 : i32
    %c0_i32_0 = arith.constant 0 : i32
    return %arg0, %arg1, %c0_i32 : i32, i32, i32
  }
  func.func @transform_1(%arg0: i32, %arg1: i32) -> (i32, i32, i32) {
    %c0_i32 = arith.constant 0 : i32
    %c0_i32_0 = arith.constant 0 : i32
    %c0_i32_1 = arith.constant 0 : i32
    return %arg0, %c0_i32, %c0_i32_0 : i32, i32, i32
  }
  func.func @transform_2(%arg0: i32, %arg1: i32) -> (i32, i32, i32) {
    %c0_i32 = arith.constant 0 : i32
    %c0_i32_0 = arith.constant 0 : i32
    return %arg0, %arg1, %c0_i32 : i32, i32, i32
  }
  func.func @transform_3(%arg0: i32, %arg1: i32) -> (i32, i32, i32) {
    %c0_i32 = arith.constant 0 : i32
    %c0_i32_0 = arith.constant 0 : i32
    return %arg0, %arg1, %c0_i32 : i32, i32, i32
  }
  func.func @transform_4(%arg0: i32, %arg1: i32) -> (i32, i32, i32) {
    %c0_i32 = arith.constant 0 : i32
    %c0_i32_0 = arith.constant 0 : i32
    return %arg0, %arg1, %c0_i32 : i32, i32, i32
  }
  func.func @transform_5(%arg0: i32, %arg1: i32) -> (i32, i32, i32) {
    %c0_i32 = arith.constant 0 : i32
    %c0_i32_0 = arith.constant 0 : i32
    return %arg0, %arg1, %c0_i32 : i32, i32, i32
  }
  func.func @transform_6(%arg0: i32, %arg1: i32) -> (i32, i32, i32) {
    %c0_i32 = arith.constant 0 : i32
    %c0_i32_0 = arith.constant 0 : i32
    return %arg0, %arg1, %c0_i32 : i32, i32, i32
  }
  func.func @transform_7(%arg0: i32, %arg1: i32) -> (i32, i32, i32) {
    %c0_i32 = arith.constant 0 : i32
    %c0_i32_0 = arith.constant 0 : i32
    return %arg0, %arg1, %c0_i32 : i32, i32, i32
  }
}

</mosaic_0001>

<sc_bundles>
// kernel: kernel.4.cloned.1.call-start
scs
__scs_entry_jumppad:
0x0: {  	(pc) =	sbr.rel $0x88, $3  }
0x1: {  	(tag) =	ssettag $0x0;
	lr =	simm.s32 $0x1  }
0x2: {  	[smem:$0x3F9E] =	sst lr;
	_ =	strace $0xD0000000  }
0x3: {  	_ = 	snop  }
0x4: {  	_ = 	snop  }
0x5: {  	_ = 	snop  }
0x6: {  	_ = 	snop  }
0x7: {  	_ = 	snop  }
__scs_overlays_trampoline_lowered:
0x8: {  	[smem:$0x3FAD] =	sst s0  }
0x9: {  	[smem:$0x3FAE] =	sst s1  }
0xa: {  	[smem:$0x3FAF] =	sst s2  }
0xb: {  	[smem:$0x3FB0] =	sst s3  }
0xc: {  	[smem:$0x3FB1] =	sst s4  }
0xd: {  	[smem:$0x3FB2] =	sst s5  }
0xe: {  	[smem:$0x3FB3] =	sst s6  }
0xf: {  	[smem:$0x3FB4] =	sst s7  }
0x10: {  	[smem:$0x3FB5] =	sst s8  }
0x11: {  	[smem:$0x3FB6] =	sst s9;
	s0 =	simm.s32 @!p0 $0x0  }
0x12: {  	s1 =	sld [smem:$0x3F9C];
	s0 =	simm.s32 @p0 $0x1  }
0x13: {  	[smem:$0x3FB7] =	sst s0;
	s0 =	simm.s32 @!p1 $0x0  }
0x14: {  	s2 =	sld [smem:$0x3F9B];
	s0 =	simm.s32 @p1 $0x1  }
0x15: {  	[smem:$0x3FB8] =	sst s0;
	s0 =	simm.s32 @!p2 $0x0  }
0x16: {  	s3 =	sld [smem:$0x3FDB];
	s0 =	simm.s32 @p2 $0x1  }
0x17: {  	s4 =	simm.s32 $0x1BF5;
	[smem:$0x3FBA] =	sst s0  }
0x18: {  	s0 =	sld [smem:$0x3F9D];
	_ =	swait.ge [sflag:s4], $0x0  }
0x19: {  	s7 =	sld [smem:$0x3F9E]  }
0x1a: {  	s8 =	sadd.s32 $0xFFFFE003, lr  }
0x1b: {  	s9 =	sadd.s32 $0xFFFFFEF7, lr;
	s5 =	simm.s32 $0xFFFFFFFF;
	p2 =	slt.u32 s8, $0xFFFFF086  }
0x1c: {  	p1 =	slt.u32 s9, $0xF7A;
	s5 =	simm.s32 @!p2 $0x0  }
0x1d: {  	s5 =	simm.s32 @p1 $0x1;
	p0 =	seq.s32 s7, s2  }
0x1e: {  	s7 =	smul.u32 @!p0 $0xF7A, s2;
	p2 =	seq.s32 @!p0 s5, $0x0  }
0x1f: {  	s9 =	smul.u32 $0xF7A, s1;
	s8 =	simm.s32 @!p0 $0x1BF5;
	p2 =	por !p2, p0  }
0x20: {  	[sflag:s8] =	ssyncset.s32 @!p0 $0xFFFFF086;
	s6 =	sadd.s32 @!p0 s3, s7;
	s7 =	simm.s32 @!p0 $0x108  }
0x21: {  	s3 =	sadd.s32 s3, s9;
	s6 =	sadd.s32 @!p0 $0x88, s6;
	s7 =	simm.s32 @p2 $0x1082  }
0x22: {  	[simem:s7], [sflag:s8] =	dma.local @!p0 [hbm:s6], $0xF7A  }
0x23: {  	s9 =	sor.u32 $0xD0000000, s2;
	s6 =	simm.s32 $0x108;
	_ =	swait.ge @!p0 [sflag:s8], $0x0  }
0x24: {  	s3 =	sadd.s32 $0x88, s3;
	s6 =	simm.s32 @!p1 $0x1082;
	[sflag:s4] =	ssyncset.s32 $0xFFFFF086  }
0x25: {  	[simem:s6], [sflag:s4] =	dma.local [hbm:s3], $0xF7A  }
0x26: {  	[smem:$0x3F9E] =	sst s1;
	(tag) =	ssettag s2;
	_ =	strace s9  }
0x27: {  	s1 =	sld [smem:$0x3FAE]  }
0x28: {  	s2 =	sld [smem:$0x3FAF]  }
0x29: {  	s4 =	sld [smem:$0x3FB1]  }
0x2a: {  	p0 =	seq.s32 s5, $0x0;
	s5 =	sld [smem:$0x3FB2]  }
0x2b: {  	s6 =	sld [smem:$0x3FB3]  }
0x2c: {  	s7 =	sld [smem:$0x3FB4]  }
0x2d: {  	s3 =	simm.s32 $0x108;
	s8 =	sld [smem:$0x3FB5]  }
0x2e: {  	s3 =	simm.s32 @!p0 $0x1082;
	s9 =	sld [smem:$0x3FB6]  }
0x2f: {  	lr =	sadd.s32 s0, s3;
	s0 =	sld [smem:$0x3FAD]  }
0x30: {  	s3 =	sld [smem:$0x3FB0]  }
0x31: {  	[smem:$0x3FB9] =	sst s10  }
0x32: {  	s10 =	sld [smem:$0x3FB7];
	_ =	sdelay $0x3  }
0x33: {  	p0 =	seq.s32 s10, $0x1;
	s10 =	sld [smem:$0x3FB9];
	_ =	sdelay $0x3  }
0x34: {  	[smem:$0x3FB9] =	sst s10  }
0x35: {  	s10 =	sld [smem:$0x3FB8];
	_ =	sdelay $0x3  }
0x36: {  	p1 =	seq.s32 s10, $0x1;
	s10 =	sld [smem:$0x3FB9];
	_ =	sdelay $0x3  }
0x37: {  	[smem:$0x3FB9] =	sst s10  }
0x38: {  	s10 =	sld [smem:$0x3FBA]  }
0x39: {  	_ = 	snop;
	(pc) =	sbr.ind lr, $3  }
0x3a: {  	_ = 	snop  }
0x3b: {  	_ = 	snop  }
0x3c: {  	p2 =	seq.s32 s10, $0x1;
	s10 =	sld [smem:$0x3FB9]  }
0x3d: {  	_ =	shalt  }
0x3e: {  	_ =	shalt  }
0x3f: {  	_ =	shalt  }
0x40: {  	_ =	shalt  }
0x41: {  	_ =	shalt  }
0x42: {  	_ =	shalt  }
0x43: {  	_ =	shalt  }
0x44: {  	_ =	shalt  }
0x45: {  	_ =	shalt  }
0x46: {  	_ =	shalt  }
0x47: {  	_ =	shalt  }
0x48: {  	_ =	shalt  }
0x49: {  	_ =	shalt  }
0x4a: {  	_ =	shalt  }
0x4b: {  	_ =	shalt  }
0x4c: {  	_ =	shalt  }
0x4d: {  	_ =	shalt  }
0x4e: {  	_ =	shalt  }
0x4f: {  	_ =	shalt  }
0x50: {  	_ =	shalt  }
0x51: {  	_ =	shalt  }
0x52: {  	_ =	shalt  }
0x53: {  	_ =	shalt  }
0x54: {  	_ =	shalt  }
0x55: {  	_ =	shalt  }
0x56: {  	_ =	shalt  }
0x57: {  	_ =	shalt  }
0x58: {  	_ =	shalt  }
0x59: {  	_ =	shalt  }
0x5a: {  	_ =	shalt  }
0x5b: {  	_ =	shalt  }
0x5c: {  	_ =	shalt  }
0x5d: {  	_ =	shalt  }
0x5e: {  	_ =	shalt  }
0x5f: {  	_ =	shalt  }
0x60: {  	_ =	shalt  }
0x61: {  	_ =	shalt  }
0x62: {  	_ =	shalt  }
0x63: {  	_ =	shalt  }
0x64: {  	_ =	shalt  }
0x65: {  	_ =	shalt  }
0x66: {  	_ =	shalt  }
0x67: {  	_ =	shalt  }
0x68: {  	_ =	shalt  }
0x69: {  	_ =	shalt  }
0x6a: {  	_ =	shalt  }
0x6b: {  	_ =	shalt  }
0x6c: {  	_ =	shalt  }
0x6d: {  	_ =	shalt  }
0x6e: {  	_ =	shalt  }
0x6f: {  	_ =	shalt  }
0x70: {  	_ =	shalt  }
0x71: {  	_ =	shalt  }
0x72: {  	_ =	shalt  }
0x73: {  	_ =	shalt  }
0x74: {  	_ =	shalt  }
0x75: {  	_ =	shalt  }
0x76: {  	_ =	shalt  }
0x77: {  	_ =	shalt  }
0x78: {  	_ =	shalt  }
0x79: {  	_ =	shalt  }
0x7a: {  	_ =	shalt  }
0x7b: {  	_ =	shalt  }
0x7c: {  	_ =	shalt  }
0x7d: {  	_ =	shalt  }
0x7e: {  	_ =	shalt  }
0x7f: {  	_ =	shalt  }
0x80: {  	_ =	shalt  }
0x81: {  	_ =	shalt  }
0x82: {  	_ =	shalt  }
0x83: {  	_ =	shalt  }
0x84: {  	_ =	shalt  }
0x85: {  	_ =	shalt  }
0x86: {  	_ =	shalt  }
0x87: {  	_ =	shalt  }
.Lfunc_end0:
.L_simem_size_0:
called_computation_lowered:
.L_overlay_start_0:
0x88: {  	s2 =	sld [smem:$0x3FD9]  }
0x89: {  	s3 =	sld [smem:$0x3FFE];
	_ =	sdelay $0x1  }
0x8a: {  	s1 =	srdreg.scid  }
0x8b: {  	s0 =	sand.u32 $0x1, s1  }
0x8c: {  	s17 =	sshll.u32 s0, $0xA;
	s2 =	sadd.s32 s3, s2  }
0x8d: {  	s2 =	sadd.s32 s2, s17  }
0x8e: {  	[smem:$0x3FC5] =	sst s2  }
0x8f: {  	_ = 	snop  }
0x90: {  	s2 =	sld [smem:$0x3FC9]  }
0x91: {  	s18 =	sld [smem:$0x3FD0];
	(tm) =	ssettm $0x1  }
0x92: {  	s4 =	sld [smem:$0x3FFB];
	_ =	sdelay $0x3  }
0x93: {  	_ =	strace s4  }
0x94: {  	s4 =	sld [smem:$0x3FFC];
	_ =	sdelay $0x3  }
0x95: {  	_ =	strace s4  }
0x96: {  	s4 =	sld [smem:$0x3FFD];
	_ =	sdelay $0x3  }
0x97: {  	_ =	strace s4  }
0x98: {  	_ =	strace $0x8FFFFFFF  }
0x99: {  	s19 =	sld [smem:$0x3FDB];
	_ =	sdelay $0x1  }
0x9a: {  	s5 =	simm.s32 $_scs_section_size  }
0x9b: {  	s6 =	simm.s32 $_size__tile_overlayer_lowered;
	s7 =	simm.s32 $_tile_overlayer_lowered  }
0x9c: {  	s22 =	simm.s32 $0x1BFF;
	s21 =	sshll.u32 s7, $0x1;
	s4 =	sadd.s32 s5, s19  }
0x9d: {  	s8 =	simm.s32 $0x0;
	s20 =	sshll.u32 s6, $0x1;
	s6 =	sadd.s32 s21, s4  }
0x9e: {  	[timem:s8], [sflag:s22] =	dma.local [hbm:s6], s20  }
0x9f: {  	_ =	swait.ge [sflag:s22], s20  }
0xa0: {  	s5 =	ssub.s32 $0x0, s20;
	[sflag:s22] =	ssyncset.done $0x0  }
0xa1: {  	[sflag:s22] =	ssyncadd.s32 s5;
	_ =	sdelay $0x1  }
0xa2: {  	s23 =	simm.s32 $0x1B8B  }
0xa3: {  	_ =	swait.ge [sflag:s23], $0x1  }
0xa4: {  	[sflag:s23] =	ssyncset.done $0x0  }
0xa5: {  	s25 =	simm.s32 $0x1B8E;
	s24 =	sld [smem:$0x3FFE];
	[sflag:s23] =	ssyncadd.s32 $0xFFFFFFFF  }
0xa6: {  	s26 =	simm.s32 $execute0_lowered;
	[smem:$0x3FD2] =	sst s25  }
0xa7: {  	s6 =	sshll.u32 s26, $0x1;
	_ =	strace $0x80000046;
	[dreg:$0x1] =	wrdreg $0xFFFFFFFF  }
0xa8: {  	s28 =	simm.s32 $_size_execute0_lowered;
	s4 =	sadd.s32 s4, s6;
	[dreg:$0x0] =	wrdreg $0x0  }
0xa9: {  	s6 =	sshll.u32 s28, $0x1;
	[dreg:$0x2] =	wrdreg s4  }
0xaa: {  	[dreg:$0x3] =	wrdreg s6  }
0xab: {  	[dreg:$0x4] =	wrdreg $0xC0  }
0xac: {  	_ =	task [dreg:s8], $0x5FFFF  }
0xad: {  	[dreg:$0x1] =	wrdreg $0xFFFFFFFF  }
0xae: {  	[dreg:$0x0] =	wrdreg $0x60  }
0xaf: {  	[dreg:$0x2] =	wrdreg s2  }
0xb0: {  	[dreg:$0x3] =	wrdreg s24  }
0xb1: {  	[dreg:$0x4] =	wrdreg s18  }
0xb2: {  	[dreg:$0x5] =	wrdreg $0x9  }
0xb3: {  	_ =	task.clear_ibuf [dreg:s8], $0x6FFFF;
	_ =	strace $0x90000046  }
0xb4: {  	s29 =	simm.s32 $0x9;
	_ =	strace $0x80000048  }
0xb5: {  	_ =	swait.ge [sflag:s29], $0x1  }
0xb6: {  	[sflag:s29] =	ssyncadd.s32 $0xFFFFFFFF  }
0xb7: {  	_ =	strace $0x90000048  }
0xb8: {  	_ =	sfence  }
0xb9: {  	s30 =	sld [smem:$0x0];
	_ =	sdelay $0x2  }
0xba: {  	s31 =	sshll.u32 s1, $0xD;
	s1 =	sshrl.u32 s1, $0x2  }
0xbb: {  	s3 =	sand.u32 $0x4000, s31;
	s1 =	sadd.s32 s1, s30  }
0xbc: {  	s0 =	sor.u32 s3, s0;
	s1 =	sshll.u32 s1, $0x11  }
0xbd: {  	s0 =	sor.u32 s1, s0  }
0xbe: {  	s0 =	sadd.s32 $0x8F2B, s0  }
0xbf: {  	[sflag:s0] =	ssyncadd.remote.s32 $0x1  }
0xc0: {  	_ =	sfence.sel $0xFFFF  }
0xc1: {  	[dreg:$0x0] =	wrdreg $0xFFFFFFFF;
	(pc) =	sbr.abs _section_cstart, $3  }
0xc2: {  	[dreg:$0x1] =	wrdreg $0xFFFFFFFF  }
0xc3: {  	_ =	task.clear_ibuf [dreg:s8], $0x2FFFF;
	_ =	strace $0x9FFFFFFF  }
0xc4: {  	(tm) =	ssettm $0x7FFFFFFF  }
0xc5: {  	_ =	shalt  }
tec
execute0_lowered:
.L_overlay_start_1:
0x0: {  	(tag) =	ssettag $0x1  }
0x1: {  	s1 =	rddreg [dreg:$0x0]  }
0x2: {  	s4 =	rddreg [dreg:$0x1];
	s0 =	simm.s32 $0x0;
	s25 =	srdreg.scid  }
0x3: {  	s6 =	stileid.u32;
	s13 =	simm.s32 $0x2;
	s29 =	simm.s32 $0x6180  }
0x4: {  	s30 =	simm.s32 $0x6980;
	s31 =	simm.s32 $0x7180;
	s12 =	simm.s32 $0x8980  }
0x5: {  	s14 =	simm.s32 $0xA980;
	s15 =	simm.s32 $0xB180;
	s16 =	simm.s32 $0xB980  }
0x6: {  	s17 =	simm.s32 $0x1;
	s18 =	simm.s32 $0x12180;
	s20 =	simm.s32 $0x0  }
0x7: {  	[smem:$0x7FF] =	sst s0;
	s5 =	sadd.s32 $0x4000, s4;
	s0 =	sand.u32 $0x1, s25  }
0x8: {  	s7 =	sadd.s32 $0x2000, s4;
	s8 =	sadd.s32 $0x300000, s4;
	s9 =	sadd.s32 $0x400000, s4  }
0x9: {  	s26 =	sshll.u32 s6, $0xC;
	s10 =	sadd.s32 $0x500000, s4;
	s2 =	ssub.s32 $0x2, s0  }
0xa: {  	s6 =	simm.s32 $0x8180;
	s4 =	simm.s32 $0xA180;
	s3 =	sshrl.u32 s2, $0x1  }
0xb: {  	v2 =	vlaneseq.u32;
	_ =	strace $0x80000047;
	s0 =	sshll.u32 s0, $0xB;
	s2 =	ssub.s32 s2, s3  }
0xc: {  	vm0 =	vmmov $0xffff;
	v1 =	vshrl.u32 v2, $0x3;
	s11 =	sor.u32 s0, s26;
	s0 =	simm.s32 $0x7980;
	s28 =	smax.u32 s2, $0x1  }
0xd: {  	v0 =	vand.u32 $0x7, v2;
	v2 =	vor.u32 $0x8, v2;
	v1 =	vmul.u32 $0x8, v1;
	s3 =	simm.s32 $0x9180;
	s2 =	simm.s32 $0x9980;
	[dreg:$0x4] =	wrdreg s28  }
.LBB2_1:
0xe: {  	[dreg:$0x5] =	wrdreg s20;
	s19 =	simm.s32 $0x0  }
.LBB2_2:
0xf: {  	s20 =	sshll.u32 s19, $0x6  }
0x10: {  	s20 =	sadd.s32 s11, s20  }
0x11: {  	s21 =	rddreg [dreg:$0x1];
	s22 =	sshrl.u32 s20, $0x3  }
0x12: {  	s23 =	sadd.s32 s21, s22;
	s21 =	simm.s32 $0x0  }
0x13: {  	[tilespmem:s21], [sflag:$0x2] =	stream.linear.gather [hbm4b:s23+s21], $0x40, $0x38;
	[tilespmem:$0x16180] =	vst v63  }
0x14: {  	_ =	swait.ge [sflag:s13], $0x40  }
0x15: {  	[sflag:s13] =	ssyncset.done $0x0  }
0x16: {  	s24 =	simm.s32 $0x80;
	s25 =	sadd.s32 s5, s22;
	[sflag:s13] =	ssyncadd.s32 $0xFFFFFFC0  }
0x17: {  	[tilespmem:s24], [sflag:$0x2] =	stream.linear.gather [hbm4b:s25+s21], $0x40, $0x38;
	[tilespmem:$0x16180] =	vst v63  }
0x18: {  	_ =	swait.ge [sflag:s13], $0x40  }
0x19: {  	[sflag:s13] =	ssyncset.done $0x0  }
0x1a: {  	s26 =	simm.s32 $0x100;
	s22 =	sadd.s32 s7, s22;
	[sflag:s13] =	ssyncadd.s32 $0xFFFFFFC0  }
0x1b: {  	[tilespmem:s26], [sflag:$0x2] =	stream.linear.gather [hbm4b:s22+s21], $0x40, $0x38;
	[tilespmem:$0x16180] =	vst v63  }
0x1c: {  	_ =	swait.ge [sflag:s13], $0x40  }
0x1d: {  	s28 =	sshll.u32 s20, $0x4;
	[sflag:s13] =	ssyncset.done $0x0  }
0x1e: {  	s26 =	sadd.s32 s8, s28;
	s22 =	simm.s32 $0xC180;
	[sflag:s13] =	ssyncadd.s32 $0xFFFFFFC0  }
0x1f: {  	[tilespmem:s22], [sflag:$0x2] =	stream.linear.gather [hbm4b:s26+s21], $0x2000, $0x38;
	[tilespmem:$0x16180] =	vst v63  }
0x20: {  	_ =	swait.ge [sflag:s13], $0x2000  }
0x21: {  	[sflag:s13] =	ssyncset.done $0x0  }
0x22: {  	s23 =	simm.s32 $0xE180;
	s25 =	sadd.s32 s9, s28;
	[sflag:s13] =	ssyncadd.s32 $0xFFFFE000  }
0x23: {  	[tilespmem:s23], [sflag:$0x2] =	stream.linear.gather [hbm4b:s25+s21], $0x2000, $0x38;
	[tilespmem:$0x16180] =	vst v63  }
0x24: {  	_ =	swait.ge [sflag:s13], $0x2000  }
0x25: {  	[sflag:s13] =	ssyncset.done $0x0  }
0x26: {  	s24 =	simm.s32 $0x10180;
	s28 =	sadd.s32 s10, s28;
	[sflag:s13] =	ssyncadd.s32 $0xFFFFE000  }
0x27: {  	[tilespmem:s24], [sflag:$0x2] =	stream.linear.gather [hbm4b:s28+s21], $0x2000, $0x38;
	[tilespmem:$0x16180] =	vst v63  }
0x28: {  	_ =	swait.ge [sflag:s13], $0x2000  }
0x29: {  	[sflag:s13] =	ssyncset.done $0x0  }
0x2a: {  	[sflag:s13] =	ssyncadd.s32 $0xFFFFE000  }
0x2b: {  	v3 =	vld [tilespmem:$0x0];
	_ =	sdelay $0x4  }
0x2c: {  	v4 =	vshll.u32 v3, $0x1  }
0x2d: {  	v3 =	vand.u32 $0x7, v3;
	v4 =	vand.u32 $0xFFFFFFF0, v4  }
0x2e: {  	v3 =	vor.u32 v3, v4  }
0x2f: {  	v4 =	vperm.xlane v3, v0;
	_ =	sdelay $0x1  }
0x30: {  	v3 =	vperm.xlane v3, v2;
	v4 =	vadd.s32 v1, v4;
	_ =	sdelay $0x1  }
0x31: {  	v3 =	vadd.s32 v1, v3;
	_ =	sdelay $0x1  }
0x32: {  	s26 =	simm.s32 $0x180  }
0x33: {  	[tilespmem:s26], [sflag:$0x1] =	stream.indirect_vreg.gather [hbm4b:s1+s21], $0x80, v4, vm0, $0xb8;
	[tilespmem:$0x16180] =	vst v63  }
0x34: {  	s28 =	simm.s32 $0x980  }
0x35: {  	[tilespmem:s28], [sflag:$0x1] =	stream.indirect_vreg.gather [hbm4b:s1+s21], $0x80, v3, vm0, $0xb8;
	[tilespmem:$0x16180] =	vst v63  }
0x36: {  	v3 =	vld [tilespmem:$0x10];
	_ =	sdelay $0x4  }
0x37: {  	v53 =	vshll.u32 v3, $0x1  }
0x38: {  	v3 =	vand.u32 $0x7, v3;
	v4 =	vand.u32 $0xFFFFFFF0, v53  }
0x39: {  	v3 =	vor.u32 v3, v4  }
0x3a: {  	v4 =	vperm.xlane v3, v0;
	_ =	sdelay $0x1  }
0x3b: {  	v3 =	vperm.xlane v3, v2;
	v4 =	vadd.s32 v1, v4;
	_ =	sdelay $0x1  }
0x3c: {  	v3 =	vadd.s32 v1, v3;
	_ =	sdelay $0x1  }
0x3d: {  	s26 =	simm.s32 $0x1180  }
0x3e: {  	[tilespmem:s26], [sflag:$0x1] =	stream.indirect_vreg.gather [hbm4b:s1+s21], $0x80, v4, vm0, $0xb8;
	[tilespmem:$0x16180] =	vst v63  }
0x3f: {  	s28 =	simm.s32 $0x1980  }
0x40: {  	[tilespmem:s28], [sflag:$0x1] =	stream.indirect_vreg.gather [hbm4b:s1+s21], $0x80, v3, vm0, $0xb8;
	[tilespmem:$0x16180] =	vst v63  }
0x41: {  	v3 =	vld [tilespmem:$0x20];
	_ =	sdelay $0x4  }
0x42: {  	v54 =	vshll.u32 v3, $0x1  }
0x43: {  	v3 =	vand.u32 $0x7, v3;
	v4 =	vand.u32 $0xFFFFFFF0, v54  }
0x44: {  	v3 =	vor.u32 v3, v4  }
0x45: {  	v4 =	vperm.xlane v3, v0;
	_ =	sdelay $0x1  }
0x46: {  	v3 =	vperm.xlane v3, v2;
	v4 =	vadd.s32 v1, v4;
	_ =	sdelay $0x1  }
0x47: {  	v3 =	vadd.s32 v1, v3;
	_ =	sdelay $0x1  }
0x48: {  	s26 =	simm.s32 $0x2180  }
0x49: {  	[tilespmem:s26], [sflag:$0x1] =	stream.indirect_vreg.gather [hbm4b:s1+s21], $0x80, v4, vm0, $0xb8;
	[tilespmem:$0x16180] =	vst v63  }
0x4a: {  	s28 =	simm.s32 $0x2980  }
0x4b: {  	[tilespmem:s28], [sflag:$0x1] =	stream.indirect_vreg.gather [hbm4b:s1+s21], $0x80, v3, vm0, $0xb8;
	[tilespmem:$0x16180] =	vst v63  }
0x4c: {  	v3 =	vld [tilespmem:$0x30];
	_ =	sdelay $0x4  }
0x4d: {  	v55 =	vshll.u32 v3, $0x1  }
0x4e: {  	v3 =	vand.u32 $0x7, v3;
	v4 =	vand.u32 $0xFFFFFFF0, v55  }
0x4f: {  	v3 =	vor.u32 v3, v4  }
0x50: {  	v4 =	vperm.xlane v3, v0;
	_ =	sdelay $0x1  }
0x51: {  	v3 =	vperm.xlane v3, v2;
	v4 =	vadd.s32 v1, v4;
	_ =	sdelay $0x1  }
0x52: {  	v3 =	vadd.s32 v1, v3;
	_ =	sdelay $0x1  }
0x53: {  	s26 =	simm.s32 $0x3180  }
0x54: {  	[tilespmem:s26], [sflag:$0x1] =	stream.indirect_vreg.gather [hbm4b:s1+s21], $0x80, v4, vm0, $0xb8;
	[tilespmem:$0x16180] =	vst v63  }
0x55: {  	s28 =	simm.s32 $0x3980  }
0x56: {  	[tilespmem:s28], [sflag:$0x1] =	stream.indirect_vreg.gather [hbm4b:s1+s21], $0x80, v3, vm0, $0xb8;
	[tilespmem:$0x16180] =	vst v63  }
0x57: {  	v3 =	vld [tilespmem:$0x80];
	_ =	sdelay $0x4  }
0x58: {  	v56 =	vshll.u32 v3, $0x1  }
0x59: {  	v3 =	vand.u32 $0x7, v3;
	v4 =	vand.u32 $0xFFFFFFF0, v56  }
0x5a: {  	v3 =	vor.u32 v3, v4  }
0x5b: {  	v4 =	vperm.xlane v3, v0;
	_ =	sdelay $0x1  }
0x5c: {  	v3 =	vperm.xlane v3, v2;
	v4 =	vadd.s32 v1, v4;
	_ =	sdelay $0x1  }
0x5d: {  	v3 =	vadd.s32 v1, v3;
	_ =	sdelay $0x1  }
0x5e: {  	s26 =	simm.s32 $0x4180  }
0x5f: {  	[tilespmem:s26], [sflag:$0x1] =	stream.indirect_vreg.gather [hbm4b:s1+s21], $0x80, v4, vm0, $0xb8;
	[tilespmem:$0x16180] =	vst v63  }
0x60: {  	s28 =	simm.s32 $0x4980  }
0x61: {  	[tilespmem:s28], [sflag:$0x1] =	stream.indirect_vreg.gather [hbm4b:s1+s21], $0x80, v3, vm0, $0xb8;
	[tilespmem:$0x16180] =	vst v63  }
0x62: {  	v3 =	vld [tilespmem:$0x90];
	_ =	sdelay $0x4  }
0x63: {  	v57 =	vshll.u32 v3, $0x1  }
0x64: {  	v3 =	vand.u32 $0x7, v3;
	v4 =	vand.u32 $0xFFFFFFF0, v57  }
0x65: {  	v3 =	vor.u32 v3, v4  }
0x66: {  	v4 =	vperm.xlane v3, v0;
	_ =	sdelay $0x1  }
0x67: {  	v3 =	vperm.xlane v3, v2;
	v4 =	vadd.s32 v1, v4;
	_ =	sdelay $0x1  }
0x68: {  	v3 =	vadd.s32 v1, v3;
	_ =	sdelay $0x1  }
0x69: {  	s26 =	simm.s32 $0x5180  }
0x6a: {  	[tilespmem:s26], [sflag:$0x1] =	stream.indirect_vreg.gather [hbm4b:s1+s21], $0x80, v4, vm0, $0xb8;
	[tilespmem:$0x16180] =	vst v63  }
0x6b: {  	s28 =	simm.s32 $0x5980  }
0x6c: {  	[tilespmem:s28], [sflag:$0x1] =	stream.indirect_vreg.gather [hbm4b:s1+s21], $0x80, v3, vm0, $0xb8;
	[tilespmem:$0x16180] =	vst v63  }
0x6d: {  	v3 =	vld [tilespmem:$0xA0];
	_ =	sdelay $0x4  }
0x6e: {  	v58 =	vshll.u32 v3, $0x1  }
0x6f: {  	v3 =	vand.u32 $0x7, v3;
	v4 =	vand.u32 $0xFFFFFFF0, v58  }
0x70: {  	v3 =	vor.u32 v3, v4  }
0x71: {  	v4 =	vperm.xlane v3, v0;
	_ =	sdelay $0x1  }
0x72: {  	v3 =	vperm.xlane v3, v2;
	v4 =	vadd.s32 v1, v4;
	_ =	sdelay $0x1  }
0x73: {  	v3 =	vadd.s32 v1, v3;
	_ =	sdelay $0x2  }
0x74: {  	[tilespmem:s29], [sflag:$0x1] =	stream.indirect_vreg.gather [hbm4b:s1+s21], $0x80, v4, vm0, $0xb8;
	[tilespmem:$0x16180] =	vst v63  }
0x75: {  	_ = 	snop  }
0x76: {  	[tilespmem:s30], [sflag:$0x1] =	stream.indirect_vreg.gather [hbm4b:s1+s21], $0x80, v3, vm0, $0xb8;
	[tilespmem:$0x16180] =	vst v63  }
0x77: {  	v3 =	vld [tilespmem:$0xB0];
	_ =	sdelay $0x4  }
0x78: {  	v59 =	vshll.u32 v3, $0x1  }
0x79: {  	v3 =	vand.u32 $0x7, v3;
	v4 =	vand.u32 $0xFFFFFFF0, v59  }
0x7a: {  	v3 =	vor.u32 v3, v4  }
0x7b: {  	v4 =	vperm.xlane v3, v0;
	_ =	sdelay $0x1  }
0x7c: {  	v3 =	vperm.xlane v3, v2;
	v4 =	vadd.s32 v1, v4;
	_ =	sdelay $0x1  }
0x7d: {  	v3 =	vadd.s32 v1, v3;
	_ =	sdelay $0x2  }
0x7e: {  	[tilespmem:s31], [sflag:$0x1] =	stream.indirect_vreg.gather [hbm4b:s1+s21], $0x80, v4, vm0, $0xb8;
	[tilespmem:$0x16180] =	vst v63  }
0x7f: {  	_ = 	snop  }
0x80: {  	[tilespmem:s0], [sflag:$0x1] =	stream.indirect_vreg.gather [hbm4b:s1+s21], $0x80, v3, vm0, $0xb8;
	[tilespmem:$0x16180] =	vst v63  }
0x81: {  	v3 =	vld [tilespmem:$0x100];
	_ =	sdelay $0x4  }
0x82: {  	v60 =	vshll.u32 v3, $0x1  }
0x83: {  	v3 =	vand.u32 $0x7, v3;
	v4 =	vand.u32 $0xFFFFFFF0, v60  }
0x84: {  	v3 =	vor.u32 v3, v4  }
0x85: {  	v4 =	vperm.xlane v3, v0;
	_ =	sdelay $0x1  }
0x86: {  	v3 =	vperm.xlane v3, v2;
	v4 =	vadd.s32 v1, v4;
	_ =	sdelay $0x1  }
0x87: {  	v3 =	vadd.s32 v1, v3;
	_ =	sdelay $0x2  }
0x88: {  	[tilespmem:s6], [sflag:$0x1] =	stream.indirect_vreg.gather [hbm4b:s1+s21], $0x80, v4, vm0, $0xb8;
	[tilespmem:$0x16180] =	vst v63  }
0x89: {  	_ = 	snop  }
0x8a: {  	[tilespmem:s12], [sflag:$0x1] =	stream.indirect_vreg.gather [hbm4b:s1+s21], $0x80, v3, vm0, $0xb8;
	[tilespmem:$0x16180] =	vst v63  }
0x8b: {  	v3 =	vld [tilespmem:$0x110];
	_ =	sdelay $0x4  }
0x8c: {  	v61 =	vshll.u32 v3, $0x1  }
0x8d: {  	v3 =	vand.u32 $0x7, v3;
	v4 =	vand.u32 $0xFFFFFFF0, v61  }
0x8e: {  	v3 =	vor.u32 v3, v4  }
0x8f: {  	v4 =	vperm.xlane v3, v0;
	_ =	sdelay $0x1  }
0x90: {  	v3 =	vperm.xlane v3, v2;
	v4 =	vadd.s32 v1, v4;
	_ =	sdelay $0x1  }
0x91: {  	v3 =	vadd.s32 v1, v3;
	_ =	sdelay $0x2  }
0x92: {  	[tilespmem:s3], [sflag:$0x1] =	stream.indirect_vreg.gather [hbm4b:s1+s21], $0x80, v4, vm0, $0xb8;
	[tilespmem:$0x16180] =	vst v63  }
0x93: {  	_ = 	snop  }
0x94: {  	[tilespmem:s2], [sflag:$0x1] =	stream.indirect_vreg.gather [hbm4b:s1+s21], $0x80, v3, vm0, $0xb8;
	[tilespmem:$0x16180] =	vst v63  }
0x95: {  	v3 =	vld [tilespmem:$0x120];
	_ =	sdelay $0x4  }
0x96: {  	v62 =	vshll.u32 v3, $0x1  }
0x97: {  	v3 =	vand.u32 $0x7, v3;
	v4 =	vand.u32 $0xFFFFFFF0, v62  }
0x98: {  	v3 =	vor.u32 v3, v4  }
0x99: {  	v4 =	vperm.xlane v3, v0;
	_ =	sdelay $0x1  }
0x9a: {  	v3 =	vperm.xlane v3, v2;
	v4 =	vadd.s32 v1, v4;
	_ =	sdelay $0x1  }
0x9b: {  	v3 =	vadd.s32 v1, v3;
	_ =	sdelay $0x2  }
0x9c: {  	[tilespmem:s4], [sflag:$0x1] =	stream.indirect_vreg.gather [hbm4b:s1+s21], $0x80, v4, vm0, $0xb8;
	[tilespmem:$0x16180] =	vst v63  }
0x9d: {  	_ = 	snop  }
0x9e: {  	[tilespmem:s14], [sflag:$0x1] =	stream.indirect_vreg.gather [hbm4b:s1+s21], $0x80, v3, vm0, $0xb8;
	[tilespmem:$0x16180] =	vst v63  }
0x9f: {  	v3 =	vld [tilespmem:$0x130];
	_ =	sdelay $0x4  }
0xa0: {  	v63 =	vshll.u32 v3, $0x1  }
0xa1: {  	v3 =	vand.u32 $0x7, v3;
	v4 =	vand.u32 $0xFFFFFFF0, v63  }
0xa2: {  	v3 =	vor.u32 v3, v4  }
0xa3: {  	v4 =	vperm.xlane v3, v0;
	_ =	sdelay $0x1  }
0xa4: {  	v3 =	vperm.xlane v3, v2;
	v4 =	vadd.s32 v1, v4;
	_ =	sdelay $0x1  }
0xa5: {  	v3 =	vadd.s32 v1, v3;
	_ =	sdelay $0x2  }
0xa6: {  	[tilespmem:s15], [sflag:$0x1] =	stream.indirect_vreg.gather [hbm4b:s1+s21], $0x80, v4, vm0, $0xb8;
	[tilespmem:$0x16180] =	vst v63  }
0xa7: {  	_ = 	snop  }
0xa8: {  	[tilespmem:s16], [sflag:$0x1] =	stream.indirect_vreg.gather [hbm4b:s1+s21], $0x80, v3, vm0, $0xb8;
	[tilespmem:$0x16180] =	vst v63  }
0xa9: {  	_ =	swait.ge [sflag:s17], $0x4000  }
0xaa: {  	[sflag:s17] =	ssyncset.done $0x0  }
0xab: {  	[sflag:s17] =	ssyncadd.s32 $0xFFFFC000  }
0xac: {  	_ =	swait.ge [sflag:s17], $0x4000  }
0xad: {  	[sflag:s17] =	ssyncset.done $0x0  }
0xae: {  	[sflag:s17] =	ssyncadd.s32 $0xFFFFC000  }
0xaf: {  	_ =	swait.ge [sflag:s17], $0x4000  }
0xb0: {  	[sflag:s17] =	ssyncset.done $0x0  }
0xb1: {  	s25 =	simm.s32 $0x0;
	[sflag:s17] =	ssyncadd.s32 $0xFFFFC000  }
.LBB2_3:
0xb2: {  	v5 =	vld [tilespmem:s22+$0x0]  }
0xb3: {  	v4 =	vld [tilespmem:s23+$0x0];
	s26 =	sand.u32 $0x3800, s21;
	s28 =	sand.u32 $0x380, s25  }
0xb4: {  	v3 =	vld [tilespmem:s24+$0x0];
	s26 =	sor.u32 s28, s26  }
0xb5: {  	v6 =	vld [tilespmem:s26+$0x180]  }
0xb6: {  	v7 =	vld [tilespmem:s26+$0x4180]  }
0xb7: {  	v8 =	vld [tilespmem:s26+$0x8180]  }
0xb8: {  	v9 =	vld [tilespmem:s26+$0x190]  }
0xb9: {  	v10 =	vld [tilespmem:s26+$0x4190]  }
0xba: {  	v11 =	vld [tilespmem:s26+$0x8190]  }
0xbb: {  	v12 =	vld [tilespmem:s26+$0x1A0]  }
0xbc: {  	v13 =	vld [tilespmem:s26+$0x41A0]  }
0xbd: {  	v14 =	vld [tilespmem:s26+$0x81A0]  }
0xbe: {  	v15 =	vld [tilespmem:s26+$0x1B0]  }
0xbf: {  	v16 =	vld [tilespmem:s26+$0x41B0]  }
0xc0: {  	v17 =	vld [tilespmem:s26+$0x81B0]  }
0xc1: {  	v18 =	vld [tilespmem:s26+$0x1C0]  }
0xc2: {  	v19 =	vld [tilespmem:s26+$0x41C0]  }
0xc3: {  	v20 =	vld [tilespmem:s26+$0x81C0]  }
0xc4: {  	v21 =	vld [tilespmem:s26+$0x1D0]  }
0xc5: {  	v22 =	vld [tilespmem:s26+$0x41D0]  }
0xc6: {  	v23 =	vld [tilespmem:s26+$0x81D0]  }
0xc7: {  	v24 =	vld [tilespmem:s26+$0x1E0]  }
0xc8: {  	v25 =	vld [tilespmem:s26+$0x41E0]  }
0xc9: {  	v26 =	vld [tilespmem:s26+$0x81E0]  }
0xca: {  	v27 =	vld [tilespmem:s26+$0x1F0]  }
0xcb: {  	v28 =	vld [tilespmem:s26+$0x41F0]  }
0xcc: {  	v29 =	vld [tilespmem:s26+$0x81F0];
	v6 =	vmul.f32 v6, v5;
	v7 =	vmul.f32 v7, v4  }
0xcd: {  	v30 =	vld [tilespmem:s26+$0x580];
	v8 =	vmul.f32 v8, v3;
	v9 =	vmul.f32 v9, v5  }
0xce: {  	v31 =	vld [tilespmem:s26+$0x4580];
	v10 =	vmul.f32 v10, v4;
	v11 =	vmul.f32 v11, v3  }
0xcf: {  	v32 =	vld [tilespmem:s26+$0x8580];
	v61 =	vmul.f32 v12, v5;
	v62 =	vmul.f32 v13, v4  }
0xd0: {  	v33 =	vld [tilespmem:s26+$0x590];
	v63 =	vmul.f32 v15, v5;
	v35 =	vmul.f32 v16, v4  }
0xd1: {  	v34 =	vld [tilespmem:s26+$0x4590];
	v36 =	vmul.f32 v14, v3;
	v37 =	vmul.f32 v17, v3  }
0xd2: {  	v40 =	vld [tilespmem:s26+$0x5B0];
	v38 =	vmul.f32 v18, v5;
	v39 =	vmul.f32 v19, v4  }
0xd3: {  	v43 =	vld [tilespmem:s26+$0x45B0];
	v41 =	vmul.f32 v21, v5;
	v42 =	vmul.f32 v22, v4  }
0xd4: {  	v46 =	vld [tilespmem:s26+$0x85B0];
	v44 =	vmul.f32 v20, v3;
	v45 =	vmul.f32 v23, v3  }
0xd5: {  	v49 =	vld [tilespmem:s26+$0x5C0];
	v47 =	vmul.f32 v24, v5;
	v48 =	vmul.f32 v25, v4  }
0xd6: {  	v52 =	vld [tilespmem:s26+$0x45C0];
	v50 =	vmul.f32 v26, v3;
	v51 =	vmul.f32 v27, v5  }
0xd7: {  	v57 =	vld [tilespmem:s26+$0x5D0];
	v53 =	vmul.f32 v28, v4;
	v54 =	vmul.f32 v29, v3  }
0xd8: {  	v60 =	vld [tilespmem:s26+$0x45D0];
	v55 =	vmul.f32 v30, v5;
	v56 =	vmul.f32 v31, v4;
	v6 =	vadd.f32 v7, v6  }
0xd9: {  	v13 =	vld [tilespmem:s26+$0x8590];
	v58 =	vmul.f32 v33, v5;
	v9 =	vadd.f32 v10, v9;
	v7 =	vadd.f32 v62, v61  }
0xda: {  	v16 =	vld [tilespmem:s26+$0x5A0];
	v59 =	vmul.f32 v34, v4;
	v10 =	vadd.f32 v35, v63;
	v18 =	vadd.f32 v48, v47  }
0xdb: {  	v12 =	vld [tilespmem:s26+$0x45A0];
	v20 =	vadd.f32 v53, v51;
	v62 =	vadd.f32 v56, v55;
	v63 =	vmul.f32 v32, v3  }
0xdc: {  	v14 =	vld [tilespmem:s26+$0x85A0];
	v33 =	vadd.f32 v59, v58;
	v47 =	vmul.f32 v49, v5;
	v6 =	vadd.f32 v8, v6  }
0xdd: {  	v27 =	vld [tilespmem:s26+$0x85C0];
	v48 =	vmul.f32 v52, v4;
	v9 =	vadd.f32 v11, v9;
	v7 =	vadd.f32 v36, v7  }
0xde: {  	v34 =	vld [tilespmem:s26+$0x5E0];
	v51 =	vmul.f32 v57, v5;
	v10 =	vadd.f32 v37, v10;
	v8 =	vadd.f32 v39, v38;
	[tilespmem:s26+$0x12180] =	vst v6  }
0xdf: {  	v28 =	vld [tilespmem:s26+$0x85D0];
	v55 =	vmul.f32 v60, v4;
	v11 =	vadd.f32 v42, v41;
	v61 =	vadd.f32 v50, v18;
	[tilespmem:s26+$0x12190] =	vst v9  }
0xe0: {  	v32 =	vadd.f32 v54, v20;
	v35 =	vadd.f32 v63, v62;
	v37 =	vld [tilespmem:s26+$0x5F0];
	v39 =	vmul.f32 v40, v5;
	[tilespmem:s26+$0x121A0] =	vst v7  }
0xe1: {  	v40 =	vmul.f32 v43, v4;
	v41 =	vld [tilespmem:s26+$0x45E0];
	v56 =	vadd.f32 v48, v47;
	v13 =	vmul.f32 v13, v3;
	[tilespmem:s26+$0x121B0] =	vst v10  }
0xe2: {  	v36 =	vmul.f32 v16, v5;
	v12 =	vmul.f32 v12, v4;
	v11 =	vadd.f32 v45, v11;
	v45 =	vld [tilespmem:s26+$0x45F0];
	[tilespmem:s26+$0x121E0] =	vst v61  }
0xe3: {  	v49 =	vld [tilespmem:s26+$0x85E0];
	v43 =	vmul.f32 v14, v3;
	v52 =	vmul.f32 v34, v5;
	v8 =	vadd.f32 v44, v8;
	[tilespmem:s26+$0x121F0] =	vst v32  }
0xe4: {  	v53 =	vld [tilespmem:s26+$0x85F0];
	v57 =	vmul.f32 v27, v3;
	v44 =	vmul.f32 v46, v3;
	v46 =	vadd.f32 v40, v39;
	[tilespmem:s26+$0x12580] =	vst v35  }
0xe5: {  	v59 =	vmul.f32 v28, v3;
	v38 =	vadd.f32 v13, v33;
	v42 =	vadd.f32 v12, v36;
	[tilespmem:s26+$0x121C0] =	vst v8  }
0xe6: {  	v60 =	vadd.f32 v57, v56;
	[tilespmem:s26+$0x121D0] =	vst v11;
	v54 =	vadd.f32 v44, v46;
	v58 =	vmul.f32 v41, v4  }
0xe7: {  	v8 =	vadd.f32 v55, v51;
	v5 =	vmul.f32 v37, v5;
	[tilespmem:s26+$0x12590] =	vst v38;
	v4 =	vmul.f32 v45, v4  }
0xe8: {  	p0 =	sne.s32 s25, $0x1F80;
	v62 =	vmul.f32 v49, v3;
	v50 =	vadd.f32 v43, v42;
	[tilespmem:s26+$0x125C0] =	vst v60;
	v61 =	vadd.f32 v58, v52  }
.Ltmp0:
0xe9: {  	v3 =	vmul.f32 v53, v3;
	[tilespmem:s26+$0x125B0] =	vst v54;
	v8 =	vadd.f32 v59, v8;
	v4 =	vadd.f32 v4, v5;
	(pc) =	sbr.rel @p0 .LBB2_3-.Ltmp0, $4  }
0xea: {  	[tilespmem:s26+$0x125A0] =	vst v50;
	v63 =	vadd.f32 v62, v61  }
0xeb: {  	[tilespmem:s26+$0x125D0] =	vst v8;
	v3 =	vadd.f32 v3, v4  }
0xec: {  	s21 =	sadd.s32 $0x100, s21;
	s22 =	sadd.s32 $0x80, s22;
	[tilespmem:s26+$0x125E0] =	vst v63  }
0xed: {  	s23 =	sadd.s32 $0x80, s23;
	s24 =	sadd.s32 $0x80, s24;
	s25 =	sadd.s32 $0x80, s25;
	[tilespmem:s26+$0x125F0] =	vst v3  }
0xee: {  	s19 =	sadd.s32 $0x1, s19  }
0xef: {  	s20 =	sshll.u32 s20, $0x5;
	s21 =	rddreg [dreg:$0x2];
	p0 =	sne.s32 s19, $0x20  }
.Ltmp1:
0xf0: {  	s28 =	simm.s32 $0x0;
	s20 =	sadd.s32 s21, s20;
	(pc) =	sbr.rel @p0 .LBB2_2-.Ltmp1, $4  }
0xf1: {  	[hbm4b:s20+s28] =	stream.linear.scatter [tilespmem:s18], [sflag:$0x2], $0x4000, $0x38;
	[tilespmem:$0x16180] =	vst v63  }
0xf2: {  	_ =	swait.ge [sflag:s13], $0x4000  }
0xf3: {  	[sflag:s13] =	ssyncset.done $0x0  }
0xf4: {  	[sflag:s13] =	ssyncadd.s32 $0xFFFFC000  }
0xf5: {  	s20 =	rddreg [dreg:$0x5]  }
0xf6: {  	s19 =	rddreg [dreg:$0x4];
	s20 =	sadd.s32 $0x1, s20  }
0xf7: {  	p0 =	sne.s32 s20, s19  }
.Ltmp2:
0xf8: {  	_ = 	snop;
	(pc) =	sbr.rel @p0 .LBB2_1-.Ltmp2, $1  }
0xf9: {  	_ =	sdelay $0x3  }
0xfa: {  	_ =	sfence.sel $0x180000  }
0xfb: {  	[bflag:$0x0] =	sbarrier.arrive $0xFFFF  }
0xfc: {  	_ =	strace $0x90000047  }
0xfd: {  	s0 =	stileid.u32;
	[bflag:$0x2] =	sbarrier.arrive $0xFFFF  }
0xfe: {  	p0 =	sne.s32 s0, $0x0;
	s0 =	rddreg [dreg:$0x3]  }
0xff: {  	s0 =	sadd.s32 @!p0 $0x100000, s0  }
0x100: {  	[sflag:s0] =	ssyncadd.tile.s32 @!p0 $0x1;
	_ =	shalt  }
.Lfunc_end2:
_tile_overlayer_lowered:
.L_overlay_start_2:
0x101: {  	(tag) =	ssettag $0x2  }
0x102: {  	s0 =	rddreg [dreg:$0x0];
	s2 =	stileid.u32  }
0x103: {  	s1 =	rddreg [dreg:$0x1];
	p0 =	sne.s32 s2, $0x0  }
0x104: {  	s3 =	rddreg [dreg:$0x2];
	[bflag:$0x3] =	sbarrier.arrive $0xFFFF;
	s2 =	simm.s32 @!p0 $0x1C02  }
0x105: {  	[timem:s3], [sflag:s2] =	dma.local @!p0 [hbm:s0], s1  }
0x106: {  	s0 =	simm.s32 @!p0 $0x2  }
0x107: {  	_ =	swait.ge @!p0 [sflag:s0], s1  }
0x108: {  	s1 =	ssub.s32 @!p0 $0x0, s1;
	[sflag:s0] =	ssyncset.done @!p0 $0x0  }
0x109: {  	[sflag:s0] =	ssyncadd.s32 @!p0 s1  }
0x10a: {  	[bflag:$0x3] =	sbarrier.arrive $0xFFFF  }
0x10b: {  	_ =	shalt  }

</sc_bundles>
